<compile_context>
chip_gen: v7x
topology: tpu7x:2x2x1
jax: 0.10.2.dev20260603
libtpu: 0.0.44.dev20260713+nightly
codegen_flags: <defaults>
</compile_context>

<pallas_src>
import functools

import jax
import jax.numpy as jnp
from jax import lax
from jax.experimental import pallas as pl
from jax.experimental.pallas import tpu as pltpu
from jax.experimental.pallas import tpu_sc as plsc

N = 10000
D_IN = 256
NHID = 512
D_OUT = 128
NMETA = 4
NEDGE = 160000
NATT = 4
WDECAY = 0.0005

NC = 2
NT = 16
CH = 128
NCHUNK = 80
EPT = NCHUNK * CH
NACC = 10240
HALF = 128
RPT = NACC // NT


def _sc_pass1(x2flat, srcp2, dstp, zrow):
    mesh = plsc.VectorSubcoreMesh(core_axis_name="c", subcore_axis_name="s", num_cores=NC, num_subcores=NT)

    @functools.partial(
        pl.kernel,
        out_type=jax.ShapeDtypeStruct((NMETA, NC, NACC, HALF), jnp.float32),
        mesh=mesh,
        scratch_types=[
            pltpu.VMEM((NCHUNK, CH), jnp.int32),
            pltpu.VMEM((NCHUNK, CH), jnp.int32),
            pltpu.VMEM((CH, HALF), jnp.float32),
            pltpu.VMEM_SHARED((NACC, HALF), jnp.float32),
        ],
    )
    def k(x_hbm, src_hbm, dst_hbm, z_hbm, g_hbm, src_v, dst_v, rows_v, acc):
        c = lax.axis_index("c")
        s = lax.axis_index("s")
        for m in range(NMETA):
            pltpu.sync_copy(z_hbm, acc.at[pl.ds(s * RPT, RPT)])
            plsc.subcore_barrier()
            pltpu.sync_copy(src_hbm.at[c, m, s], src_v)
            pltpu.sync_copy(dst_hbm.at[m, s], dst_v)

            def chunk(j, carry):
                pltpu.sync_copy(x_hbm.at[src_v.at[j]], rows_v)
                pltpu.sync_copy(rows_v, acc.at[dst_v.at[j]], add=True)
                return carry

            lax.fori_loop(0, NCHUNK, chunk, 0)
            plsc.subcore_barrier()
            pltpu.sync_copy(acc.at[pl.ds(s * RPT, RPT)],
                            g_hbm.at[m, c, pl.ds(s * RPT, RPT)])
            plsc.subcore_barrier()

    return k(x2flat, srcp2, dstp, zrow)


def _sc_pass2(pre2flat, srcp3, dstp, zrow):
    mesh = plsc.VectorSubcoreMesh(core_axis_name="c", subcore_axis_name="s", num_cores=NC, num_subcores=NT)

    @functools.partial(
        pl.kernel,
        out_type=jax.ShapeDtypeStruct((NMETA, NACC, D_OUT), jnp.float32),
        mesh=mesh,
        scratch_types=[
            pltpu.VMEM((NCHUNK, CH), jnp.int32),
            pltpu.VMEM((NCHUNK, CH), jnp.int32),
            pltpu.VMEM((CH, D_OUT), jnp.float32),
            pltpu.VMEM_SHARED((NACC, D_OUT), jnp.float32),
        ],
    )
    def k(t_hbm, src_hbm, dst_hbm, z_hbm, h2_hbm, src_v, dst_v, rows_v, acc):
        c = lax.axis_index("c")
        s = lax.axis_index("s")
        for kk in range(NMETA // NC):
            m = c * (NMETA // NC) + kk
            pltpu.sync_copy(z_hbm, acc.at[pl.ds(s * RPT, RPT)])
            plsc.subcore_barrier()
            pltpu.sync_copy(src_hbm.at[m, s], src_v)
            pltpu.sync_copy(dst_hbm.at[m, s], dst_v)

            def chunk(j, carry):
                pltpu.sync_copy(t_hbm.at[src_v.at[j]], rows_v)
                pltpu.sync_copy(rows_v, acc.at[dst_v.at[j]], add=True)
                return carry

            lax.fori_loop(0, NCHUNK, chunk, 0)
            plsc.subcore_barrier()
            pltpu.sync_copy(acc.at[pl.ds(s * RPT, RPT)],
                            h2_hbm.at[m, pl.ds(s * RPT, RPT)])
            plsc.subcore_barrier()

    return k(pre2flat, srcp3, dstp, zrow)


BLK1 = 512


def _tc_gcn_body(g0, g1, w0lo, w0hi, w1, out):
    a = g0[0, 0]
    b = g1[0, 0]
    h = jnp.dot(a, w0lo[...], preferred_element_type=jnp.float32)
    h = h + jnp.dot(b, w0hi[...], preferred_element_type=jnp.float32)
    h = jnp.maximum(h, 0.0)
    nrm = jnp.sqrt(jnp.sum(h * h, axis=1, keepdims=True)) + 1e-12
    h = h / nrm
    out[0] = jnp.dot(h, w1[...], preferred_element_type=jnp.float32)


def _tc_gcn(g, W0, W1):
    nb = NACC // BLK1
    return pl.pallas_call(
        _tc_gcn_body,
        grid=(NMETA, nb),
        in_specs=[
            pl.BlockSpec((1, 1, BLK1, HALF), lambda m, j: (m, 0, j, 0)),
            pl.BlockSpec((1, 1, BLK1, HALF), lambda m, j: (m, 1, j, 0)),
            pl.BlockSpec((HALF, NHID), lambda m, j: (0, 0)),
            pl.BlockSpec((HALF, NHID), lambda m, j: (0, 0)),
            pl.BlockSpec((NHID, D_OUT), lambda m, j: (0, 0)),
        ],
        out_specs=pl.BlockSpec((1, BLK1, D_OUT), lambda m, j: (m, j, 0)),
        out_shape=jax.ShapeDtypeStruct((NMETA, NACC, D_OUT), jnp.float32),
    )(g, g, W0[:HALF], W0[HALF:], W1)


BLK2 = 512


def _tc_att_body(h2, wat, v_ref, wsq_ref):
    j = pl.program_id(0)

    @pl.when(j == 0)
    def _init():
        for m in range(NMETA):
            for a in range(NATT):
                v_ref[m, a] = 0.0
        wsq_ref[0, 0] = 0.0

    wsq_ref[0, 0] += jnp.sum(wat[...] * wat[...])
    for m in range(NMETA):
        hm = h2[m]
        for a in range(NATT):
            v_ref[m, a] += jnp.sum(hm * wat[a])


def _tc_att(h2, wat):
    nb = NACC // BLK2
    return pl.pallas_call(
        _tc_att_body,
        grid=(nb,),
        in_specs=[
            pl.BlockSpec((NMETA, BLK2, D_OUT), lambda j: (0, j, 0)),
            pl.BlockSpec((NATT, BLK2, D_OUT), lambda j: (0, j, 0)),
        ],
        out_specs=[
            pl.BlockSpec(memory_space=pltpu.SMEM),
            pl.BlockSpec(memory_space=pltpu.SMEM),
        ],
        out_shape=[
            jax.ShapeDtypeStruct((NMETA, NATT), jnp.float32),
            jax.ShapeDtypeStruct((1, 1), jnp.float32),
        ],
    )(h2, wat)


def _tc_final_body(h2, label, maskc, vpad, bpad, upad, w0, w1, wsq,
                   loss_ref, acc_ref, s_sm):
    j = pl.program_id(0)
    nb = pl.num_programs(0)

    @pl.when(j == 0)
    def _init():
        s_sm[0] = 0.0
        s_sm[1] = 0.0
        s_sm[2] = 0.0
        s_sm[3] = jnp.sum(w0[...] * w0[...]) + jnp.sum(w1[...] * w1[...])

    vt = jnp.tanh(vpad[...] + bpad[...])
    vu = jnp.sum(vt * upad[...], axis=1, keepdims=True)
    ridx = lax.broadcasted_iota(jnp.int32, (8, 1), 0)
    z = jnp.where(ridx < NMETA, vu, -1e30)
    ez = jnp.exp(z - jnp.max(z))
    alpha = ez / jnp.sum(ez)

    fb = jnp.zeros((BLK2, D_OUT), jnp.float32)
    for m in range(NMETA):
        fb = fb + alpha[m, 0] * h2[m]

    rmax = jnp.max(fb, axis=1, keepdims=True)
    ex = jnp.exp(fb - rmax)
    se = jnp.sum(ex, axis=1, keepdims=True)
    logp = fb - rmax - jnp.log(se)
    lb = label[...]
    mk = maskc[...]
    ce = -jnp.sum(lb * logp, axis=1, keepdims=True)

    cidx = lax.broadcasted_iota(jnp.int32, (BLK2, D_OUT), 1)
    am_f = jnp.min(jnp.where(fb == rmax, cidx, D_OUT), axis=1, keepdims=True)
    lmax = jnp.max(lb, axis=1, keepdims=True)
    am_l = jnp.min(jnp.where(lb == lmax, cidx, D_OUT), axis=1, keepdims=True)
    corr = jnp.where(am_f == am_l, 1.0, 0.0)

    s_sm[0] += jnp.sum(ce * mk)
    s_sm[1] += jnp.sum(mk)
    s_sm[2] += jnp.sum(corr * mk)

    @pl.when(j == nb - 1)
    def _fin():
        l2b = jnp.sum(bpad[...] * bpad[...])
        l2u = jnp.sum(upad[0:1, :] * upad[0:1, :])
        l2all = 0.5 * (s_sm[3] + wsq[0, 0] + l2b + l2u)
        loss_ref[0, 0] = WDECAY * l2all + s_sm[0] / s_sm[1]
        acc_ref[0, 0] = s_sm[2] / s_sm[1]


def _tc_final(h2, label_p, mask_p, vpad, bpad, upad, W0, W1, wsq):
    nb = NACC // BLK2
    return pl.pallas_call(
        _tc_final_body,
        grid=(nb,),
        in_specs=[
            pl.BlockSpec((NMETA, BLK2, D_OUT), lambda j: (0, j, 0)),
            pl.BlockSpec((BLK2, D_OUT), lambda j: (j, 0)),
            pl.BlockSpec((BLK2, 1), lambda j: (j, 0)),
            pl.BlockSpec((8, 128), lambda j: (0, 0)),
            pl.BlockSpec((8, 128), lambda j: (0, 0)),
            pl.BlockSpec((8, 128), lambda j: (0, 0)),
            pl.BlockSpec((D_IN, NHID), lambda j: (0, 0)),
            pl.BlockSpec((NHID, D_OUT), lambda j: (0, 0)),
            pl.BlockSpec(memory_space=pltpu.SMEM),
        ],
        out_specs=[
            pl.BlockSpec(memory_space=pltpu.SMEM),
            pl.BlockSpec(memory_space=pltpu.SMEM),
        ],
        out_shape=[
            jax.ShapeDtypeStruct((1, 1), jnp.float32),
            jax.ShapeDtypeStruct((1, 1), jnp.float32),
        ],
        scratch_shapes=[pltpu.SMEM((4,), jnp.float32)],
    )(h2, label_p, mask_p, vpad, bpad, upad, W0, W1, wsq)


def kernel(x, edge_index, label, mask, W0, W1, W_att, b_att, u_att):
    src = edge_index[:, 0, :].astype(jnp.int32).reshape(NMETA, NT, NEDGE // NT)
    dst = edge_index[:, 1, :].astype(jnp.int32).reshape(NMETA, NT, NEDGE // NT)
    pad = EPT - NEDGE // NT
    src = jnp.pad(src, ((0, 0), (0, 0), (0, pad)))
    dst = jnp.pad(dst, ((0, 0), (0, 0), (0, pad)), constant_values=N)
    src = src.reshape(NMETA, NT, NCHUNK, CH)
    dstp = dst.reshape(NMETA, NT, NCHUNK, CH)
    offs_c = (jnp.arange(NC, dtype=jnp.int32) * N).reshape(NC, 1, 1, 1, 1)
    srcp2 = src[None] + offs_c
    offs_m = (jnp.arange(NMETA, dtype=jnp.int32) * NACC).reshape(NMETA, 1, 1, 1)
    srcp3 = src + offs_m

    x2flat = jnp.concatenate([x[:, :HALF], x[:, HALF:]], axis=0)
    zrow = jnp.zeros((RPT, HALF), jnp.float32)

    g = _sc_pass1(x2flat, srcp2, dstp, zrow)

    pre2 = _tc_gcn(g, W0, W1)

    h2 = _sc_pass2(pre2.reshape(NMETA * NACC, D_OUT), srcp3, dstp, zrow)

    wat = W_att.reshape(N, D_OUT, NATT)
    wat = jnp.pad(wat, ((0, NACC - N), (0, 0), (0, 0)))
    wat = wat.transpose(2, 0, 1)
    v_sm, wsq = _tc_att(h2, wat)

    label_p = jnp.pad(label, ((0, NACC - N), (0, 0)))
    mask_p = jnp.pad(mask, ((0, NACC - N),)).reshape(NACC, 1)
    vpad = jnp.zeros((8, 128), jnp.float32).at[:NMETA, :NATT].set(v_sm)
    bpad = jnp.zeros((8, 128), jnp.float32).at[:NMETA, :NATT].set(
        jnp.broadcast_to(b_att, (NMETA, NATT)))
    upad = jnp.zeros((8, 128), jnp.float32).at[:, :NATT].set(
        jnp.broadcast_to(u_att, (8, NATT)))
    loss, acc = _tc_final(h2, label_p, mask_p, vpad, bpad, upad, W0, W1, wsq)
    return (loss[0, 0], acc[0, 0])

# --- scband reference (transcript-rebuilt; emitter-appended) ---
"""Pipeline reference for scband-player2-vec-80693845557540 (READ-ONLY COPY).

The authoritative reference and input builder live on the scoring server;
editing this copy changes nothing except your own understanding.
"""

import jax, jax.numpy as jnp
import numpy as np

N = 10000
D_IN = 256
NHID = 512
D_OUT = 128
M = 4
E = 160000
ATT = 4
WD = 0.0005


def setup_inputs(seed: int = 0) -> dict:
    key = jax.random.key(seed)
    ks = jax.random.split(key, 8)
    x = jax.random.normal(ks[0], (N, D_IN), dtype=jnp.float32)
    edge_index = jax.random.randint(ks[1], (M, 2, E), 0, N)
    label = jax.random.uniform(ks[2], (N, D_OUT), dtype=jnp.float32)
    mask = jnp.ones((N,), dtype=jnp.float32)
    W0 = jax.random.normal(ks[3], (D_IN, NHID), dtype=jnp.float32) * (1.0 / np.sqrt(D_IN))
    W1 = jax.random.normal(ks[4], (NHID, D_OUT), dtype=jnp.float32) * (1.0 / np.sqrt(NHID))
    W_att = jax.random.normal(ks[5], (N * D_OUT, ATT), dtype=jnp.float32) * 0.01
    b_att = jnp.zeros((ATT,), dtype=jnp.float32)
    u_att = jax.random.normal(ks[6], (ATT,), dtype=jnp.float32) * 0.1
    return {"x": x, "edge_index": edge_index, "label": label, "mask": mask,
            "W0": W0, "W1": W1, "W_att": W_att, "b_att": b_att, "u_att": u_att}


def _l2norm_rows(t):
    return t / (jnp.sqrt(jnp.sum(t * t, axis=1, keepdims=True)) + 1e-12)


def reference(x, edge_index, label, mask, W0, W1, W_att, b_att, u_att):
    n = x.shape[0]
    num_meta = edge_index.shape[0]
    outputs = []
    for i in range(num_meta):
        src = edge_index[i, 0]
        dst = edge_index[i, 1]
        # GCN layer 1: A @ (x W0), relu, l2-normalize (norm=True)
        pre = x @ W0
        h = jax.ops.segment_sum(jnp.take(pre, src, axis=0), dst, num_segments=n)
        h = jax.nn.relu(h)
        h = _l2norm_rows(h)
        # GCN layer 2: A @ (h W1), identity activation, no norm
        pre2 = h @ W1
        h2 = jax.ops.segment_sum(jnp.take(pre2, src, axis=0), dst, num_segments=n)
        outputs.append(h2)
    stacked = jnp.stack(outputs)                       # [M, N, C]
    flat = stacked.reshape(num_meta, n * D_OUT)        # [M, N*C]
    # attention over meta-paths (v_type='tanh')
    v = jnp.tanh(flat @ W_att + b_att)                 # [M, ATT]
    vu = v @ u_att                                     # [M]
    alpha = jax.nn.softmax(vu)
    final = jnp.sum(flat * alpha[:, None], axis=0).reshape(n, D_OUT)
    # weight decay l2 loss (tf.nn.l2_loss = sum(t^2)/2)
    l2 = lambda t: jnp.sum(t * t) / 2.0
    loss = WD * (l2(W0) + l2(W1) + l2(W_att) + l2(b_att) + l2(u_att))
    # masked softmax cross entropy
    logp = jax.nn.log_softmax(final, axis=-1)
    ce = -jnp.sum(label * logp, axis=-1)
    m = mask / jnp.mean(mask)
    loss = loss + jnp.mean(ce * m)
    # masked accuracy
    correct = (jnp.argmax(final, axis=1) == jnp.argmax(label, axis=1)).astype(jnp.float32)
    acc = jnp.mean(correct * m)
    return (loss, acc)

if __name__ == "__main__":
    import jax
    _d = setup_inputs()
    print(jax.jit(kernel)(*tuple(_d.values())))

</pallas_src>

<mosaic_0001>
#map = affine_map<(d0, d1) -> (0, 0)>
#map1 = affine_map<(d0, d1) -> (0, 0, 0, 0)>
#map2 = affine_map<(d0, d1) -> (0, 0, 0)>
module attributes {stable_mosaic.version = 14 : i64} {
  func.func @k(%arg0: i32, %arg1: i32, %arg2: memref<40960x128xf32, #tpu.memory_space<hbm>>, %arg3: memref<4x16x80x128xi32, #tpu.memory_space<hbm>>, %arg4: memref<4x16x80x128xi32, #tpu.memory_space<hbm>>, %arg5: memref<640x128xf32, #tpu.memory_space<hbm>>, %arg6: memref<4x10240x128xf32, #tpu.memory_space<hbm>>, %arg7: memref<80x128xi32, #tpu.memory_space<vmem>>, %arg8: memref<80x128xi32, #tpu.memory_space<vmem>>, %arg9: memref<128x128xf32, #tpu.memory_space<vmem>>, %arg10: memref<10240x128xf32, #tpu.memory_space<vmem_shared>>) attributes {dimension_semantics = [#tpu.dimension_semantics<core_parallel>, #tpu.dimension_semantics<subcore_parallel>], iteration_bounds = array<i64: 2, 16>, scalar_prefetch = 0 : i64, scratch_operands = 4 : i64, tpu.core_type = #tpu.core_type<sc_vector_subcore>, window_params = [{transform_indices = #map}, {transform_indices = #map1}, {transform_indices = #map1}, {transform_indices = #map}, {transform_indices = #map2}]} {
    %mul3A = arith.constant 2 : i32
    %mul3A_0 = arith.muli %arg0, %mul3A : i32
    %add3A = arith.constant 0 : i32
    %add3A_1 = arith.addi %mul3A_0, %add3A : i32
    %mul3A_2 = arith.constant 640 : i32
    %mul3A_3 = arith.muli %arg1, %mul3A_2 : i32
    "tpu.region"() ({
      %run_scoped3A = tpu.sem_alloc : memref<!tpu.dma_semaphore, #tpu.memory_space<semaphore_mem>>
      %dma_start3A = arith.constant 0 : i32
      %dma_start3A_34 = tpu.memref_slice %arg10[%mul3A_3, %dma_start3A] : memref<10240x128xf32, #tpu.memory_space<vmem_shared>> -> memref<640x128xf32, #tpu.memory_space<vmem_shared>>
      tpu.enqueue_dma source(%arg5 : memref<640x128xf32, #tpu.memory_space<hbm>>) target(%dma_start3A_34 : memref<640x128xf32, #tpu.memory_space<vmem_shared>>) target_semaphore(%run_scoped3A : memref<!tpu.dma_semaphore, #tpu.memory_space<semaphore_mem>>)
      %dma_wait3A = arith.constant 0 : i32
      %dma_wait3A_35 = tpu.memref_slice %arg10[%mul3A_3, %dma_wait3A] : memref<10240x128xf32, #tpu.memory_space<vmem_shared>> -> memref<640x128xf32, #tpu.memory_space<vmem_shared>>
      tpu.wait_dma2 semaphore(%run_scoped3A : memref<!tpu.dma_semaphore, #tpu.memory_space<semaphore_mem>>) src(%arg5 : memref<640x128xf32, #tpu.memory_space<hbm>>) dst(%dma_wait3A_35 : memref<640x128xf32, #tpu.memory_space<vmem_shared>>)
      tpu.yield
    }) : () -> ()
    %barrier3A = arith.constant 0 : index
    tpu.barrier barrier_id(%barrier3A)
    "tpu.region"() ({
      %run_scoped3A = tpu.sem_alloc : memref<!tpu.dma_semaphore, #tpu.memory_space<semaphore_mem>>
      %dma_start3A = arith.constant 0 : i32
      %dma_start3A_34 = arith.constant 0 : i32
      %dma_start3A_35 = tpu.memref_slice %arg3[%add3A_1, %arg1, %dma_start3A, %dma_start3A_34] : memref<4x16x80x128xi32, #tpu.memory_space<hbm>> -> memref<1x1x80x128xi32, #tpu.memory_space<hbm>>
      %dma_start3A_36 = tpu.memref_squeeze %dma_start3A_35 : memref<1x1x80x128xi32, #tpu.memory_space<hbm>> -> memref<80x128xi32, #tpu.memory_space<hbm>>
      %dma_start3A_37 = arith.constant 0 : i32
      %dma_start3A_38 = arith.constant 0 : i32
      %dma_start3A_39 = tpu.memref_slice %arg3[%add3A_1, %arg1, %dma_start3A_37, %dma_start3A_38] : memref<4x16x80x128xi32, #tpu.memory_space<hbm>> -> memref<1x1x80x128xi32, #tpu.memory_space<hbm>>
      %dma_start3A_40 = tpu.memref_squeeze %dma_start3A_39 : memref<1x1x80x128xi32, #tpu.memory_space<hbm>> -> memref<80x128xi32, #tpu.memory_space<hbm>>
      tpu.enqueue_dma source(%dma_start3A_40 : memref<80x128xi32, #tpu.memory_space<hbm>>) target(%arg7 : memref<80x128xi32, #tpu.memory_space<vmem>>) target_semaphore(%run_scoped3A : memref<!tpu.dma_semaphore, #tpu.memory_space<semaphore_mem>>)
      %dma_wait3A = arith.constant 0 : i32
      %dma_wait3A_41 = arith.constant 0 : i32
      %dma_wait3A_42 = tpu.memref_slice %arg3[%add3A_1, %arg1, %dma_wait3A, %dma_wait3A_41] : memref<4x16x80x128xi32, #tpu.memory_space<hbm>> -> memref<1x1x80x128xi32, #tpu.memory_space<hbm>>
      %dma_wait3A_43 = tpu.memref_squeeze %dma_wait3A_42 : memref<1x1x80x128xi32, #tpu.memory_space<hbm>> -> memref<80x128xi32, #tpu.memory_space<hbm>>
      %dma_wait3A_44 = arith.constant 0 : i32
      %dma_wait3A_45 = arith.constant 0 : i32
      %dma_wait3A_46 = tpu.memref_slice %arg3[%add3A_1, %arg1, %dma_wait3A_44, %dma_wait3A_45] : memref<4x16x80x128xi32, #tpu.memory_space<hbm>> -> memref<1x1x80x128xi32, #tpu.memory_space<hbm>>
      %dma_wait3A_47 = tpu.memref_squeeze %dma_wait3A_46 : memref<1x1x80x128xi32, #tpu.memory_space<hbm>> -> memref<80x128xi32, #tpu.memory_space<hbm>>
      tpu.wait_dma2 semaphore(%run_scoped3A : memref<!tpu.dma_semaphore, #tpu.memory_space<semaphore_mem>>) src(%dma_wait3A_47 : memref<80x128xi32, #tpu.memory_space<hbm>>) dst(%arg7 : memref<80x128xi32, #tpu.memory_space<vmem>>)
      tpu.yield
    }) : () -> ()
    "tpu.region"() ({
      %run_scoped3A = tpu.sem_alloc : memref<!tpu.dma_semaphore, #tpu.memory_space<semaphore_mem>>
      %dma_start3A = arith.constant 0 : i32
      %dma_start3A_34 = arith.constant 0 : i32
      %dma_start3A_35 = tpu.memref_slice %arg4[%add3A_1, %arg1, %dma_start3A, %dma_start3A_34] : memref<4x16x80x128xi32, #tpu.memory_space<hbm>> -> memref<1x1x80x128xi32, #tpu.memory_space<hbm>>
      %dma_start3A_36 = tpu.memref_squeeze %dma_start3A_35 : memref<1x1x80x128xi32, #tpu.memory_space<hbm>> -> memref<80x128xi32, #tpu.memory_space<hbm>>
      %dma_start3A_37 = arith.constant 0 : i32
      %dma_start3A_38 = arith.constant 0 : i32
      %dma_start3A_39 = tpu.memref_slice %arg4[%add3A_1, %arg1, %dma_start3A_37, %dma_start3A_38] : memref<4x16x80x128xi32, #tpu.memory_space<hbm>> -> memref<1x1x80x128xi32, #tpu.memory_space<hbm>>
      %dma_start3A_40 = tpu.memref_squeeze %dma_start3A_39 : memref<1x1x80x128xi32, #tpu.memory_space<hbm>> -> memref<80x128xi32, #tpu.memory_space<hbm>>
      tpu.enqueue_dma source(%dma_start3A_40 : memref<80x128xi32, #tpu.memory_space<hbm>>) target(%arg8 : memref<80x128xi32, #tpu.memory_space<vmem>>) target_semaphore(%run_scoped3A : memref<!tpu.dma_semaphore, #tpu.memory_space<semaphore_mem>>)
      %dma_wait3A = arith.constant 0 : i32
      %dma_wait3A_41 = arith.constant 0 : i32
      %dma_wait3A_42 = tpu.memref_slice %arg4[%add3A_1, %arg1, %dma_wait3A, %dma_wait3A_41] : memref<4x16x80x128xi32, #tpu.memory_space<hbm>> -> memref<1x1x80x128xi32, #tpu.memory_space<hbm>>
      %dma_wait3A_43 = tpu.memref_squeeze %dma_wait3A_42 : memref<1x1x80x128xi32, #tpu.memory_space<hbm>> -> memref<80x128xi32, #tpu.memory_space<hbm>>
      %dma_wait3A_44 = arith.constant 0 : i32
      %dma_wait3A_45 = arith.constant 0 : i32
      %dma_wait3A_46 = tpu.memref_slice %arg4[%add3A_1, %arg1, %dma_wait3A_44, %dma_wait3A_45] : memref<4x16x80x128xi32, #tpu.memory_space<hbm>> -> memref<1x1x80x128xi32, #tpu.memory_space<hbm>>
      %dma_wait3A_47 = tpu.memref_squeeze %dma_wait3A_46 : memref<1x1x80x128xi32, #tpu.memory_space<hbm>> -> memref<80x128xi32, #tpu.memory_space<hbm>>
      tpu.wait_dma2 semaphore(%run_scoped3A : memref<!tpu.dma_semaphore, #tpu.memory_space<semaphore_mem>>) src(%dma_wait3A_47 : memref<80x128xi32, #tpu.memory_space<hbm>>) dst(%arg8 : memref<80x128xi32, #tpu.memory_space<vmem>>)
      tpu.yield
    }) : () -> ()
    %scan3A = arith.constant 0 : i32
    %scan3A_4 = arith.constant 0 : i32
    %scan3A_5 = arith.constant 80 : i32
    %scan3A_6 = arith.addi %scan3A_4, %scan3A_5 : i32
    %scan3A_7 = arith.constant 1 : i32
    scf.for %scan3A_34 = %scan3A_4 to %scan3A_6 step %scan3A_7  : i32 {
      "tpu.region"() ({
        %run_scoped3A = tpu.sem_alloc : memref<!tpu.dma_semaphore, #tpu.memory_space<semaphore_mem>>
        %dma_start3A = arith.constant 0 : i32
        %dma_start3A_35 = tpu.memref_slice %arg7[%scan3A_34, %dma_start3A] : memref<80x128xi32, #tpu.memory_space<vmem>> -> memref<1x128xi32, #tpu.memory_space<vmem>>
        %dma_start3A_36 = tpu.memref_squeeze %dma_start3A_35 : memref<1x128xi32, #tpu.memory_space<vmem>> -> memref<128xi32, #tpu.memory_space<vmem>>
        %dma_start3A_37 = arith.constant 0 : i32
        %dma_start3A_38 = arith.constant 0 : i32
        %dma_start3A_39 = tpu.memref_slice %arg2[%dma_start3A_37, %dma_start3A_38] : memref<40960x128xf32, #tpu.memory_space<hbm>> -> memref<40960x128xf32, #tpu.memory_space<hbm>>
        tpu.enqueue_indirect_dma source(%dma_start3A_39 : memref<40960x128xf32, #tpu.memory_space<hbm>>) target(%arg9 : memref<128x128xf32, #tpu.memory_space<vmem>>) offsets(%dma_start3A_36 : memref<128xi32, #tpu.memory_space<vmem>>) semaphore(%run_scoped3A : memref<!tpu.dma_semaphore, #tpu.memory_space<semaphore_mem>>)
        %dma_wait3A = arith.constant 0 : i32
        %dma_wait3A_40 = tpu.memref_slice %arg7[%scan3A_34, %dma_wait3A] : memref<80x128xi32, #tpu.memory_space<vmem>> -> memref<1x128xi32, #tpu.memory_space<vmem>>
        %dma_wait3A_41 = tpu.memref_squeeze %dma_wait3A_40 : memref<1x128xi32, #tpu.memory_space<vmem>> -> memref<128xi32, #tpu.memory_space<vmem>>
        %dma_wait3A_42 = arith.constant 0 : i32
        %dma_wait3A_43 = arith.constant 0 : i32
        %dma_wait3A_44 = tpu.memref_slice %arg2[%dma_wait3A_42, %dma_wait3A_43] : memref<40960x128xf32, #tpu.memory_space<hbm>> -> memref<40960x128xf32, #tpu.memory_space<hbm>>
        tpu.wait_indirect_dma semaphore(%run_scoped3A : memref<!tpu.dma_semaphore, #tpu.memory_space<semaphore_mem>>) src(%dma_wait3A_44 : memref<40960x128xf32, #tpu.memory_space<hbm>>) dst(%arg9 : memref<128x128xf32, #tpu.memory_space<vmem>>)
        tpu.yield
      }) : () -> ()
      "tpu.region"() ({
        %run_scoped3A = tpu.sem_alloc : memref<!tpu.dma_semaphore, #tpu.memory_space<semaphore_mem>>
        %dma_start3A = arith.constant 0 : i32
        %dma_start3A_35 = tpu.memref_slice %arg8[%scan3A_34, %dma_start3A] : memref<80x128xi32, #tpu.memory_space<vmem>> -> memref<1x128xi32, #tpu.memory_space<vmem>>
        %dma_start3A_36 = tpu.memref_squeeze %dma_start3A_35 : memref<1x128xi32, #tpu.memory_space<vmem>> -> memref<128xi32, #tpu.memory_space<vmem>>
        %dma_start3A_37 = arith.constant 0 : i32
        %dma_start3A_38 = arith.constant 0 : i32
        %dma_start3A_39 = tpu.memref_slice %arg10[%dma_start3A_37, %dma_start3A_38] : memref<10240x128xf32, #tpu.memory_space<vmem_shared>> -> memref<10240x128xf32, #tpu.memory_space<vmem_shared>>
        tpu.enqueue_indirect_dma source(%arg9 : memref<128x128xf32, #tpu.memory_space<vmem>>) target(%dma_start3A_39 : memref<10240x128xf32, #tpu.memory_space<vmem_shared>>) offsets(%dma_start3A_36 : memref<128xi32, #tpu.memory_space<vmem>>) semaphore(%run_scoped3A : memref<!tpu.dma_semaphore, #tpu.memory_space<semaphore_mem>>) {add = true}
        %dma_wait3A = arith.constant 0 : i32
        %dma_wait3A_40 = tpu.memref_slice %arg8[%scan3A_34, %dma_wait3A] : memref<80x128xi32, #tpu.memory_space<vmem>> -> memref<1x128xi32, #tpu.memory_space<vmem>>
        %dma_wait3A_41 = tpu.memref_squeeze %dma_wait3A_40 : memref<1x128xi32, #tpu.memory_space<vmem>> -> memref<128xi32, #tpu.memory_space<vmem>>
        %dma_wait3A_42 = arith.constant 0 : i32
        %dma_wait3A_43 = arith.constant 0 : i32
        %dma_wait3A_44 = tpu.memref_slice %arg10[%dma_wait3A_42, %dma_wait3A_43] : memref<10240x128xf32, #tpu.memory_space<vmem_shared>> -> memref<10240x128xf32, #tpu.memory_space<vmem_shared>>
        tpu.wait_indirect_dma semaphore(%run_scoped3A : memref<!tpu.dma_semaphore, #tpu.memory_space<semaphore_mem>>) src(%arg9 : memref<128x128xf32, #tpu.memory_space<vmem>>) dst(%dma_wait3A_44 : memref<10240x128xf32, #tpu.memory_space<vmem_shared>>)
        tpu.yield
      }) : () -> ()
    }
    %scan3A_8 = arith.constant 80 : i32
    %barrier3A_9 = arith.constant 0 : index
    tpu.barrier barrier_id(%barrier3A_9)
    %mul3A_10 = arith.constant 640 : i32
    %mul3A_11 = arith.muli %arg1, %mul3A_10 : i32
    %mul3A_12 = arith.constant 640 : i32
    %mul3A_13 = arith.muli %arg1, %mul3A_12 : i32
    "tpu.region"() ({
      %run_scoped3A = tpu.sem_alloc : memref<!tpu.dma_semaphore, #tpu.memory_space<semaphore_mem>>
      %dma_start3A = arith.constant 0 : i32
      %dma_start3A_34 = tpu.memref_slice %arg6[%add3A_1, %mul3A_13, %dma_start3A] : memref<4x10240x128xf32, #tpu.memory_space<hbm>> -> memref<1x640x128xf32, #tpu.memory_space<hbm>>
      %dma_start3A_35 = tpu.memref_squeeze %dma_start3A_34 : memref<1x640x128xf32, #tpu.memory_space<hbm>> -> memref<640x128xf32, #tpu.memory_space<hbm>>
      %dma_start3A_36 = arith.constant 0 : i32
      %dma_start3A_37 = tpu.memref_slice %arg10[%mul3A_11, %dma_start3A_36] : memref<10240x128xf32, #tpu.memory_space<vmem_shared>> -> memref<640x128xf32, #tpu.memory_space<vmem_shared>>
      tpu.enqueue_dma source(%dma_start3A_37 : memref<640x128xf32, #tpu.memory_space<vmem_shared>>) target(%dma_start3A_35 : memref<640x128xf32, #tpu.memory_space<hbm>>) target_semaphore(%run_scoped3A : memref<!tpu.dma_semaphore, #tpu.memory_space<semaphore_mem>>)
      %dma_wait3A = arith.constant 0 : i32
      %dma_wait3A_38 = tpu.memref_slice %arg6[%add3A_1, %mul3A_13, %dma_wait3A] : memref<4x10240x128xf32, #tpu.memory_space<hbm>> -> memref<1x640x128xf32, #tpu.memory_space<hbm>>
      %dma_wait3A_39 = tpu.memref_squeeze %dma_wait3A_38 : memref<1x640x128xf32, #tpu.memory_space<hbm>> -> memref<640x128xf32, #tpu.memory_space<hbm>>
      %dma_wait3A_40 = arith.constant 0 : i32
      %dma_wait3A_41 = tpu.memref_slice %arg10[%mul3A_11, %dma_wait3A_40] : memref<10240x128xf32, #tpu.memory_space<vmem_shared>> -> memref<640x128xf32, #tpu.memory_space<vmem_shared>>
      tpu.wait_dma2 semaphore(%run_scoped3A : memref<!tpu.dma_semaphore, #tpu.memory_space<semaphore_mem>>) src(%dma_wait3A_41 : memref<640x128xf32, #tpu.memory_space<vmem_shared>>) dst(%dma_wait3A_39 : memref<640x128xf32, #tpu.memory_space<hbm>>)
      tpu.yield
    }) : () -> ()
    %barrier3A_14 = arith.constant 0 : index
    tpu.barrier barrier_id(%barrier3A_14)
    %mul3A_15 = arith.constant 2 : i32
    %mul3A_16 = arith.muli %arg0, %mul3A_15 : i32
    %add3A_17 = arith.constant 1 : i32
    %add3A_18 = arith.addi %mul3A_16, %add3A_17 : i32
    %mul3A_19 = arith.constant 640 : i32
    %mul3A_20 = arith.muli %arg1, %mul3A_19 : i32
    "tpu.region"() ({
      %run_scoped3A = tpu.sem_alloc : memref<!tpu.dma_semaphore, #tpu.memory_space<semaphore_mem>>
      %dma_start3A = arith.constant 0 : i32
      %dma_start3A_34 = tpu.memref_slice %arg10[%mul3A_20, %dma_start3A] : memref<10240x128xf32, #tpu.memory_space<vmem_shared>> -> memref<640x128xf32, #tpu.memory_space<vmem_shared>>
      tpu.enqueue_dma source(%arg5 : memref<640x128xf32, #tpu.memory_space<hbm>>) target(%dma_start3A_34 : memref<640x128xf32, #tpu.memory_space<vmem_shared>>) target_semaphore(%run_scoped3A : memref<!tpu.dma_semaphore, #tpu.memory_space<semaphore_mem>>)
      %dma_wait3A = arith.constant 0 : i32
      %dma_wait3A_35 = tpu.memref_slice %arg10[%mul3A_20, %dma_wait3A] : memref<10240x128xf32, #tpu.memory_space<vmem_shared>> -> memref<640x128xf32, #tpu.memory_space<vmem_shared>>
      tpu.wait_dma2 semaphore(%run_scoped3A : memref<!tpu.dma_semaphore, #tpu.memory_space<semaphore_mem>>) src(%arg5 : memref<640x128xf32, #tpu.memory_space<hbm>>) dst(%dma_wait3A_35 : memref<640x128xf32, #tpu.memory_space<vmem_shared>>)
      tpu.yield
    }) : () -> ()
    %barrier3A_21 = arith.constant 0 : index
    tpu.barrier barrier_id(%barrier3A_21)
    "tpu.region"() ({
      %run_scoped3A = tpu.sem_alloc : memref<!tpu.dma_semaphore, #tpu.memory_space<semaphore_mem>>
      %dma_start3A = arith.constant 0 : i32
      %dma_start3A_34 = arith.constant 0 : i32
      %dma_start3A_35 = tpu.memref_slice %arg3[%add3A_18, %arg1, %dma_start3A, %dma_start3A_34] : memref<4x16x80x128xi32, #tpu.memory_space<hbm>> -> memref<1x1x80x128xi32, #tpu.memory_space<hbm>>
      %dma_start3A_36 = tpu.memref_squeeze %dma_start3A_35 : memref<1x1x80x128xi32, #tpu.memory_space<hbm>> -> memref<80x128xi32, #tpu.memory_space<hbm>>
      %dma_start3A_37 = arith.constant 0 : i32
      %dma_start3A_38 = arith.constant 0 : i32
      %dma_start3A_39 = tpu.memref_slice %arg3[%add3A_18, %arg1, %dma_start3A_37, %dma_start3A_38] : memref<4x16x80x128xi32, #tpu.memory_space<hbm>> -> memref<1x1x80x128xi32, #tpu.memory_space<hbm>>
      %dma_start3A_40 = tpu.memref_squeeze %dma_start3A_39 : memref<1x1x80x128xi32, #tpu.memory_space<hbm>> -> memref<80x128xi32, #tpu.memory_space<hbm>>
      tpu.enqueue_dma source(%dma_start3A_40 : memref<80x128xi32, #tpu.memory_space<hbm>>) target(%arg7 : memref<80x128xi32, #tpu.memory_space<vmem>>) target_semaphore(%run_scoped3A : memref<!tpu.dma_semaphore, #tpu.memory_space<semaphore_mem>>)
      %dma_wait3A = arith.constant 0 : i32
      %dma_wait3A_41 = arith.constant 0 : i32
      %dma_wait3A_42 = tpu.memref_slice %arg3[%add3A_18, %arg1, %dma_wait3A, %dma_wait3A_41] : memref<4x16x80x128xi32, #tpu.memory_space<hbm>> -> memref<1x1x80x128xi32, #tpu.memory_space<hbm>>
      %dma_wait3A_43 = tpu.memref_squeeze %dma_wait3A_42 : memref<1x1x80x128xi32, #tpu.memory_space<hbm>> -> memref<80x128xi32, #tpu.memory_space<hbm>>
      %dma_wait3A_44 = arith.constant 0 : i32
      %dma_wait3A_45 = arith.constant 0 : i32
      %dma_wait3A_46 = tpu.memref_slice %arg3[%add3A_18, %arg1, %dma_wait3A_44, %dma_wait3A_45] : memref<4x16x80x128xi32, #tpu.memory_space<hbm>> -> memref<1x1x80x128xi32, #tpu.memory_space<hbm>>
      %dma_wait3A_47 = tpu.memref_squeeze %dma_wait3A_46 : memref<1x1x80x128xi32, #tpu.memory_space<hbm>> -> memref<80x128xi32, #tpu.memory_space<hbm>>
      tpu.wait_dma2 semaphore(%run_scoped3A : memref<!tpu.dma_semaphore, #tpu.memory_space<semaphore_mem>>) src(%dma_wait3A_47 : memref<80x128xi32, #tpu.memory_space<hbm>>) dst(%arg7 : memref<80x128xi32, #tpu.memory_space<vmem>>)
      tpu.yield
    }) : () -> ()
    "tpu.region"() ({
      %run_scoped3A = tpu.sem_alloc : memref<!tpu.dma_semaphore, #tpu.memory_space<semaphore_mem>>
      %dma_start3A = arith.constant 0 : i32
      %dma_start3A_34 = arith.constant 0 : i32
      %dma_start3A_35 = tpu.memref_slice %arg4[%add3A_18, %arg1, %dma_start3A, %dma_start3A_34] : memref<4x16x80x128xi32, #tpu.memory_space<hbm>> -> memref<1x1x80x128xi32, #tpu.memory_space<hbm>>
      %dma_start3A_36 = tpu.memref_squeeze %dma_start3A_35 : memref<1x1x80x128xi32, #tpu.memory_space<hbm>> -> memref<80x128xi32, #tpu.memory_space<hbm>>
      %dma_start3A_37 = arith.constant 0 : i32
      %dma_start3A_38 = arith.constant 0 : i32
      %dma_start3A_39 = tpu.memref_slice %arg4[%add3A_18, %arg1, %dma_start3A_37, %dma_start3A_38] : memref<4x16x80x128xi32, #tpu.memory_space<hbm>> -> memref<1x1x80x128xi32, #tpu.memory_space<hbm>>
      %dma_start3A_40 = tpu.memref_squeeze %dma_start3A_39 : memref<1x1x80x128xi32, #tpu.memory_space<hbm>> -> memref<80x128xi32, #tpu.memory_space<hbm>>
      tpu.enqueue_dma source(%dma_start3A_40 : memref<80x128xi32, #tpu.memory_space<hbm>>) target(%arg8 : memref<80x128xi32, #tpu.memory_space<vmem>>) target_semaphore(%run_scoped3A : memref<!tpu.dma_semaphore, #tpu.memory_space<semaphore_mem>>)
      %dma_wait3A = arith.constant 0 : i32
      %dma_wait3A_41 = arith.constant 0 : i32
      %dma_wait3A_42 = tpu.memref_slice %arg4[%add3A_18, %arg1, %dma_wait3A, %dma_wait3A_41] : memref<4x16x80x128xi32, #tpu.memory_space<hbm>> -> memref<1x1x80x128xi32, #tpu.memory_space<hbm>>
      %dma_wait3A_43 = tpu.memref_squeeze %dma_wait3A_42 : memref<1x1x80x128xi32, #tpu.memory_space<hbm>> -> memref<80x128xi32, #tpu.memory_space<hbm>>
      %dma_wait3A_44 = arith.constant 0 : i32
      %dma_wait3A_45 = arith.constant 0 : i32
      %dma_wait3A_46 = tpu.memref_slice %arg4[%add3A_18, %arg1, %dma_wait3A_44, %dma_wait3A_45] : memref<4x16x80x128xi32, #tpu.memory_space<hbm>> -> memref<1x1x80x128xi32, #tpu.memory_space<hbm>>
      %dma_wait3A_47 = tpu.memref_squeeze %dma_wait3A_46 : memref<1x1x80x128xi32, #tpu.memory_space<hbm>> -> memref<80x128xi32, #tpu.memory_space<hbm>>
      tpu.wait_dma2 semaphore(%run_scoped3A : memref<!tpu.dma_semaphore, #tpu.memory_space<semaphore_mem>>) src(%dma_wait3A_47 : memref<80x128xi32, #tpu.memory_space<hbm>>) dst(%arg8 : memref<80x128xi32, #tpu.memory_space<vmem>>)
      tpu.yield
    }) : () -> ()
    %scan3A_22 = arith.constant 0 : i32
    %scan3A_23 = arith.constant 0 : i32
    %scan3A_24 = arith.constant 80 : i32
    %scan3A_25 = arith.addi %scan3A_23, %scan3A_24 : i32
    %scan3A_26 = arith.constant 1 : i32
    scf.for %scan3A_34 = %scan3A_23 to %scan3A_25 step %scan3A_26  : i32 {
      "tpu.region"() ({
        %run_scoped3A = tpu.sem_alloc : memref<!tpu.dma_semaphore, #tpu.memory_space<semaphore_mem>>
        %dma_start3A = arith.constant 0 : i32
        %dma_start3A_35 = tpu.memref_slice %arg7[%scan3A_34, %dma_start3A] : memref<80x128xi32, #tpu.memory_space<vmem>> -> memref<1x128xi32, #tpu.memory_space<vmem>>
        %dma_start3A_36 = tpu.memref_squeeze %dma_start3A_35 : memref<1x128xi32, #tpu.memory_space<vmem>> -> memref<128xi32, #tpu.memory_space<vmem>>
        %dma_start3A_37 = arith.constant 0 : i32
        %dma_start3A_38 = arith.constant 0 : i32
        %dma_start3A_39 = tpu.memref_slice %arg2[%dma_start3A_37, %dma_start3A_38] : memref<40960x128xf32, #tpu.memory_space<hbm>> -> memref<40960x128xf32, #tpu.memory_space<hbm>>
        tpu.enqueue_indirect_dma source(%dma_start3A_39 : memref<40960x128xf32, #tpu.memory_space<hbm>>) target(%arg9 : memref<128x128xf32, #tpu.memory_space<vmem>>) offsets(%dma_start3A_36 : memref<128xi32, #tpu.memory_space<vmem>>) semaphore(%run_scoped3A : memref<!tpu.dma_semaphore, #tpu.memory_space<semaphore_mem>>)
        %dma_wait3A = arith.constant 0 : i32
        %dma_wait3A_40 = tpu.memref_slice %arg7[%scan3A_34, %dma_wait3A] : memref<80x128xi32, #tpu.memory_space<vmem>> -> memref<1x128xi32, #tpu.memory_space<vmem>>
        %dma_wait3A_41 = tpu.memref_squeeze %dma_wait3A_40 : memref<1x128xi32, #tpu.memory_space<vmem>> -> memref<128xi32, #tpu.memory_space<vmem>>
        %dma_wait3A_42 = arith.constant 0 : i32
        %dma_wait3A_43 = arith.constant 0 : i32
        %dma_wait3A_44 = tpu.memref_slice %arg2[%dma_wait3A_42, %dma_wait3A_43] : memref<40960x128xf32, #tpu.memory_space<hbm>> -> memref<40960x128xf32, #tpu.memory_space<hbm>>
        tpu.wait_indirect_dma semaphore(%run_scoped3A : memref<!tpu.dma_semaphore, #tpu.memory_space<semaphore_mem>>) src(%dma_wait3A_44 : memref<40960x128xf32, #tpu.memory_space<hbm>>) dst(%arg9 : memref<128x128xf32, #tpu.memory_space<vmem>>)
        tpu.yield
      }) : () -> ()
      "tpu.region"() ({
        %run_scoped3A = tpu.sem_alloc : memref<!tpu.dma_semaphore, #tpu.memory_space<semaphore_mem>>
        %dma_start3A = arith.constant 0 : i32
        %dma_start3A_35 = tpu.memref_slice %arg8[%scan3A_34, %dma_start3A] : memref<80x128xi32, #tpu.memory_space<vmem>> -> memref<1x128xi32, #tpu.memory_space<vmem>>
        %dma_start3A_36 = tpu.memref_squeeze %dma_start3A_35 : memref<1x128xi32, #tpu.memory_space<vmem>> -> memref<128xi32, #tpu.memory_space<vmem>>
        %dma_start3A_37 = arith.constant 0 : i32
        %dma_start3A_38 = arith.constant 0 : i32
        %dma_start3A_39 = tpu.memref_slice %arg10[%dma_start3A_37, %dma_start3A_38] : memref<10240x128xf32, #tpu.memory_space<vmem_shared>> -> memref<10240x128xf32, #tpu.memory_space<vmem_shared>>
        tpu.enqueue_indirect_dma source(%arg9 : memref<128x128xf32, #tpu.memory_space<vmem>>) target(%dma_start3A_39 : memref<10240x128xf32, #tpu.memory_space<vmem_shared>>) offsets(%dma_start3A_36 : memref<128xi32, #tpu.memory_space<vmem>>) semaphore(%run_scoped3A : memref<!tpu.dma_semaphore, #tpu.memory_space<semaphore_mem>>) {add = true}
        %dma_wait3A = arith.constant 0 : i32
        %dma_wait3A_40 = tpu.memref_slice %arg8[%scan3A_34, %dma_wait3A] : memref<80x128xi32, #tpu.memory_space<vmem>> -> memref<1x128xi32, #tpu.memory_space<vmem>>
        %dma_wait3A_41 = tpu.memref_squeeze %dma_wait3A_40 : memref<1x128xi32, #tpu.memory_space<vmem>> -> memref<128xi32, #tpu.memory_space<vmem>>
        %dma_wait3A_42 = arith.constant 0 : i32
        %dma_wait3A_43 = arith.constant 0 : i32
        %dma_wait3A_44 = tpu.memref_slice %arg10[%dma_wait3A_42, %dma_wait3A_43] : memref<10240x128xf32, #tpu.memory_space<vmem_shared>> -> memref<10240x128xf32, #tpu.memory_space<vmem_shared>>
        tpu.wait_indirect_dma semaphore(%run_scoped3A : memref<!tpu.dma_semaphore, #tpu.memory_space<semaphore_mem>>) src(%arg9 : memref<128x128xf32, #tpu.memory_space<vmem>>) dst(%dma_wait3A_44 : memref<10240x128xf32, #tpu.memory_space<vmem_shared>>)
        tpu.yield
      }) : () -> ()
    }
    %scan3A_27 = arith.constant 80 : i32
    %barrier3A_28 = arith.constant 0 : index
    tpu.barrier barrier_id(%barrier3A_28)
    %mul3A_29 = arith.constant 640 : i32
    %mul3A_30 = arith.muli %arg1, %mul3A_29 : i32
    %mul3A_31 = arith.constant 640 : i32
    %mul3A_32 = arith.muli %arg1, %mul3A_31 : i32
    "tpu.region"() ({
      %run_scoped3A = tpu.sem_alloc : memref<!tpu.dma_semaphore, #tpu.memory_space<semaphore_mem>>
      %dma_start3A = arith.constant 0 : i32
      %dma_start3A_34 = tpu.memref_slice %arg6[%add3A_18, %mul3A_32, %dma_start3A] : memref<4x10240x128xf32, #tpu.memory_space<hbm>> -> memref<1x640x128xf32, #tpu.memory_space<hbm>>
      %dma_start3A_35 = tpu.memref_squeeze %dma_start3A_34 : memref<1x640x128xf32, #tpu.memory_space<hbm>> -> memref<640x128xf32, #tpu.memory_space<hbm>>
      %dma_start3A_36 = arith.constant 0 : i32
      %dma_start3A_37 = tpu.memref_slice %arg10[%mul3A_30, %dma_start3A_36] : memref<10240x128xf32, #tpu.memory_space<vmem_shared>> -> memref<640x128xf32, #tpu.memory_space<vmem_shared>>
      tpu.enqueue_dma source(%dma_start3A_37 : memref<640x128xf32, #tpu.memory_space<vmem_shared>>) target(%dma_start3A_35 : memref<640x128xf32, #tpu.memory_space<hbm>>) target_semaphore(%run_scoped3A : memref<!tpu.dma_semaphore, #tpu.memory_space<semaphore_mem>>)
      %dma_wait3A = arith.constant 0 : i32
      %dma_wait3A_38 = tpu.memref_slice %arg6[%add3A_18, %mul3A_32, %dma_wait3A] : memref<4x10240x128xf32, #tpu.memory_space<hbm>> -> memref<1x640x128xf32, #tpu.memory_space<hbm>>
      %dma_wait3A_39 = tpu.memref_squeeze %dma_wait3A_38 : memref<1x640x128xf32, #tpu.memory_space<hbm>> -> memref<640x128xf32, #tpu.memory_space<hbm>>
      %dma_wait3A_40 = arith.constant 0 : i32
      %dma_wait3A_41 = tpu.memref_slice %arg10[%mul3A_30, %dma_wait3A_40] : memref<10240x128xf32, #tpu.memory_space<vmem_shared>> -> memref<640x128xf32, #tpu.memory_space<vmem_shared>>
      tpu.wait_dma2 semaphore(%run_scoped3A : memref<!tpu.dma_semaphore, #tpu.memory_space<semaphore_mem>>) src(%dma_wait3A_41 : memref<640x128xf32, #tpu.memory_space<vmem_shared>>) dst(%dma_wait3A_39 : memref<640x128xf32, #tpu.memory_space<hbm>>)
      tpu.yield
    }) : () -> ()
    %barrier3A_33 = arith.constant 0 : index
    tpu.barrier barrier_id(%barrier3A_33)
    return
  }
}

#map = affine_map<(d0, d1) -> (0, 0)>
#map1 = affine_map<(d0, d1) -> (0, 0, 0, 0, 0)>
#map2 = affine_map<(d0, d1) -> (0, 0, 0, 0)>
module attributes {stable_mosaic.version = 14 : i64} {
  func.func @k(%arg0: i32, %arg1: i32, %arg2: memref<20000x128xf32, #tpu.memory_space<hbm>>, %arg3: memref<2x4x16x80x128xi32, #tpu.memory_space<hbm>>, %arg4: memref<4x16x80x128xi32, #tpu.memory_space<hbm>>, %arg5: memref<640x128xf32, #tpu.memory_space<hbm>>, %arg6: memref<4x2x10240x128xf32, #tpu.memory_space<hbm>>, %arg7: memref<80x128xi32, #tpu.memory_space<vmem>>, %arg8: memref<80x128xi32, #tpu.memory_space<vmem>>, %arg9: memref<128x128xf32, #tpu.memory_space<vmem>>, %arg10: memref<10240x128xf32, #tpu.memory_space<vmem_shared>>) attributes {dimension_semantics = [#tpu.dimension_semantics<core_parallel>, #tpu.dimension_semantics<subcore_parallel>], iteration_bounds = array<i64: 2, 16>, scalar_prefetch = 0 : i64, scratch_operands = 4 : i64, tpu.core_type = #tpu.core_type<sc_vector_subcore>, window_params = [{transform_indices = #map}, {transform_indices = #map1}, {transform_indices = #map2}, {transform_indices = #map}, {transform_indices = #map2}]} {
    %mul3A = arith.constant 640 : i32
    %mul3A_0 = arith.muli %arg1, %mul3A : i32
    "tpu.region"() ({
      %run_scoped3A_68 = tpu.sem_alloc : memref<!tpu.dma_semaphore, #tpu.memory_space<semaphore_mem>>
      %dma_start3A = arith.constant 0 : i32
      %dma_start3A_69 = tpu.memref_slice %arg10[%mul3A_0, %dma_start3A] : memref<10240x128xf32, #tpu.memory_space<vmem_shared>> -> memref<640x128xf32, #tpu.memory_space<vmem_shared>>
      tpu.enqueue_dma source(%arg5 : memref<640x128xf32, #tpu.memory_space<hbm>>) target(%dma_start3A_69 : memref<640x128xf32, #tpu.memory_space<vmem_shared>>) target_semaphore(%run_scoped3A_68 : memref<!tpu.dma_semaphore, #tpu.memory_space<semaphore_mem>>)
      %dma_wait3A = arith.constant 0 : i32
      %dma_wait3A_70 = tpu.memref_slice %arg10[%mul3A_0, %dma_wait3A] : memref<10240x128xf32, #tpu.memory_space<vmem_shared>> -> memref<640x128xf32, #tpu.memory_space<vmem_shared>>
      tpu.wait_dma2 semaphore(%run_scoped3A_68 : memref<!tpu.dma_semaphore, #tpu.memory_space<semaphore_mem>>) src(%arg5 : memref<640x128xf32, #tpu.memory_space<hbm>>) dst(%dma_wait3A_70 : memref<640x128xf32, #tpu.memory_space<vmem_shared>>)
      tpu.yield
    }) : () -> ()
    %barrier3A = arith.constant 0 : index
    tpu.barrier barrier_id(%barrier3A)
    %run_scoped3A = arith.constant 0 : i32
    "tpu.region"() ({
      %run_scoped3A_68 = tpu.sem_alloc : memref<!tpu.dma_semaphore, #tpu.memory_space<semaphore_mem>>
      %dma_start3A = arith.constant 0 : i32
      %dma_start3A_69 = arith.constant 0 : i32
      %dma_start3A_70 = tpu.memref_slice %arg3[%arg0, %run_scoped3A, %arg1, %dma_start3A, %dma_start3A_69] : memref<2x4x16x80x128xi32, #tpu.memory_space<hbm>> -> memref<1x1x1x80x128xi32, #tpu.memory_space<hbm>>
      %dma_start3A_71 = tpu.memref_squeeze %dma_start3A_70 : memref<1x1x1x80x128xi32, #tpu.memory_space<hbm>> -> memref<80x128xi32, #tpu.memory_space<hbm>>
      %dma_start3A_72 = arith.constant 0 : i32
      %dma_start3A_73 = arith.constant 0 : i32
      %dma_start3A_74 = tpu.memref_slice %arg3[%arg0, %run_scoped3A, %arg1, %dma_start3A_72, %dma_start3A_73] : memref<2x4x16x80x128xi32, #tpu.memory_space<hbm>> -> memref<1x1x1x80x128xi32, #tpu.memory_space<hbm>>
      %dma_start3A_75 = tpu.memref_squeeze %dma_start3A_74 : memref<1x1x1x80x128xi32, #tpu.memory_space<hbm>> -> memref<80x128xi32, #tpu.memory_space<hbm>>
      tpu.enqueue_dma source(%dma_start3A_75 : memref<80x128xi32, #tpu.memory_space<hbm>>) target(%arg7 : memref<80x128xi32, #tpu.memory_space<vmem>>) target_semaphore(%run_scoped3A_68 : memref<!tpu.dma_semaphore, #tpu.memory_space<semaphore_mem>>)
      %dma_wait3A = arith.constant 0 : i32
      %dma_wait3A_76 = arith.constant 0 : i32
      %dma_wait3A_77 = tpu.memref_slice %arg3[%arg0, %run_scoped3A, %arg1, %dma_wait3A, %dma_wait3A_76] : memref<2x4x16x80x128xi32, #tpu.memory_space<hbm>> -> memref<1x1x1x80x128xi32, #tpu.memory_space<hbm>>
      %dma_wait3A_78 = tpu.memref_squeeze %dma_wait3A_77 : memref<1x1x1x80x128xi32, #tpu.memory_space<hbm>> -> memref<80x128xi32, #tpu.memory_space<hbm>>
      %dma_wait3A_79 = arith.constant 0 : i32
      %dma_wait3A_80 = arith.constant 0 : i32
      %dma_wait3A_81 = tpu.memref_slice %arg3[%arg0, %run_scoped3A, %arg1, %dma_wait3A_79, %dma_wait3A_80] : memref<2x4x16x80x128xi32, #tpu.memory_space<hbm>> -> memref<1x1x1x80x128xi32, #tpu.memory_space<hbm>>
      %dma_wait3A_82 = tpu.memref_squeeze %dma_wait3A_81 : memref<1x1x1x80x128xi32, #tpu.memory_space<hbm>> -> memref<80x128xi32, #tpu.memory_space<hbm>>
      tpu.wait_dma2 semaphore(%run_scoped3A_68 : memref<!tpu.dma_semaphore, #tpu.memory_space<semaphore_mem>>) src(%dma_wait3A_82 : memref<80x128xi32, #tpu.memory_space<hbm>>) dst(%arg7 : memref<80x128xi32, #tpu.memory_space<vmem>>)
      tpu.yield
    }) : () -> ()
    %run_scoped3A_1 = arith.constant 0 : i32
    "tpu.region"() ({
      %run_scoped3A_68 = tpu.sem_alloc : memref<!tpu.dma_semaphore, #tpu.memory_space<semaphore_mem>>
      %dma_start3A = arith.constant 0 : i32
      %dma_start3A_69 = arith.constant 0 : i32
      %dma_start3A_70 = tpu.memref_slice %arg4[%run_scoped3A_1, %arg1, %dma_start3A, %dma_start3A_69] : memref<4x16x80x128xi32, #tpu.memory_space<hbm>> -> memref<1x1x80x128xi32, #tpu.memory_space<hbm>>
      %dma_start3A_71 = tpu.memref_squeeze %dma_start3A_70 : memref<1x1x80x128xi32, #tpu.memory_space<hbm>> -> memref<80x128xi32, #tpu.memory_space<hbm>>
      %dma_start3A_72 = arith.constant 0 : i32
      %dma_start3A_73 = arith.constant 0 : i32
      %dma_start3A_74 = tpu.memref_slice %arg4[%run_scoped3A_1, %arg1, %dma_start3A_72, %dma_start3A_73] : memref<4x16x80x128xi32, #tpu.memory_space<hbm>> -> memref<1x1x80x128xi32, #tpu.memory_space<hbm>>
      %dma_start3A_75 = tpu.memref_squeeze %dma_start3A_74 : memref<1x1x80x128xi32, #tpu.memory_space<hbm>> -> memref<80x128xi32, #tpu.memory_space<hbm>>
      tpu.enqueue_dma source(%dma_start3A_75 : memref<80x128xi32, #tpu.memory_space<hbm>>) target(%arg8 : memref<80x128xi32, #tpu.memory_space<vmem>>) target_semaphore(%run_scoped3A_68 : memref<!tpu.dma_semaphore, #tpu.memory_space<semaphore_mem>>)
      %dma_wait3A = arith.constant 0 : i32
      %dma_wait3A_76 = arith.constant 0 : i32
      %dma_wait3A_77 = tpu.memref_slice %arg4[%run_scoped3A_1, %arg1, %dma_wait3A, %dma_wait3A_76] : memref<4x16x80x128xi32, #tpu.memory_space<hbm>> -> memref<1x1x80x128xi32, #tpu.memory_space<hbm>>
      %dma_wait3A_78 = tpu.memref_squeeze %dma_wait3A_77 : memref<1x1x80x128xi32, #tpu.memory_space<hbm>> -> memref<80x128xi32, #tpu.memory_space<hbm>>
      %dma_wait3A_79 = arith.constant 0 : i32
      %dma_wait3A_80 = arith.constant 0 : i32
      %dma_wait3A_81 = tpu.memref_slice %arg4[%run_scoped3A_1, %arg1, %dma_wait3A_79, %dma_wait3A_80] : memref<4x16x80x128xi32, #tpu.memory_space<hbm>> -> memref<1x1x80x128xi32, #tpu.memory_space<hbm>>
      %dma_wait3A_82 = tpu.memref_squeeze %dma_wait3A_81 : memref<1x1x80x128xi32, #tpu.memory_space<hbm>> -> memref<80x128xi32, #tpu.memory_space<hbm>>
      tpu.wait_dma2 semaphore(%run_scoped3A_68 : memref<!tpu.dma_semaphore, #tpu.memory_space<semaphore_mem>>) src(%dma_wait3A_82 : memref<80x128xi32, #tpu.memory_space<hbm>>) dst(%arg8 : memref<80x128xi32, #tpu.memory_space<vmem>>)
      tpu.yield
    }) : () -> ()
    %scan3A = arith.constant 0 : i32
    %scan3A_2 = arith.constant 0 : i32
    %scan3A_3 = arith.constant 80 : i32
    %scan3A_4 = arith.addi %scan3A_2, %scan3A_3 : i32
    %scan3A_5 = arith.constant 1 : i32
    scf.for %scan3A_68 = %scan3A_2 to %scan3A_4 step %scan3A_5  : i32 {
      "tpu.region"() ({
        %run_scoped3A_69 = tpu.sem_alloc : memref<!tpu.dma_semaphore, #tpu.memory_space<semaphore_mem>>
        %dma_start3A = arith.constant 0 : i32
        %dma_start3A_70 = tpu.memref_slice %arg7[%scan3A_68, %dma_start3A] : memref<80x128xi32, #tpu.memory_space<vmem>> -> memref<1x128xi32, #tpu.memory_space<vmem>>
        %dma_start3A_71 = tpu.memref_squeeze %dma_start3A_70 : memref<1x128xi32, #tpu.memory_space<vmem>> -> memref<128xi32, #tpu.memory_space<vmem>>
        %dma_start3A_72 = arith.constant 0 : i32
        %dma_start3A_73 = arith.constant 0 : i32
        %dma_start3A_74 = tpu.memref_slice %arg2[%dma_start3A_72, %dma_start3A_73] : memref<20000x128xf32, #tpu.memory_space<hbm>> -> memref<20000x128xf32, #tpu.memory_space<hbm>>
        tpu.enqueue_indirect_dma source(%dma_start3A_74 : memref<20000x128xf32, #tpu.memory_space<hbm>>) target(%arg9 : memref<128x128xf32, #tpu.memory_space<vmem>>) offsets(%dma_start3A_71 : memref<128xi32, #tpu.memory_space<vmem>>) semaphore(%run_scoped3A_69 : memref<!tpu.dma_semaphore, #tpu.memory_space<semaphore_mem>>)
        %dma_wait3A = arith.constant 0 : i32
        %dma_wait3A_75 = tpu.memref_slice %arg7[%scan3A_68, %dma_wait3A] : memref<80x128xi32, #tpu.memory_space<vmem>> -> memref<1x128xi32, #tpu.memory_space<vmem>>
        %dma_wait3A_76 = tpu.memref_squeeze %dma_wait3A_75 : memref<1x128xi32, #tpu.memory_space<vmem>> -> memref<128xi32, #tpu.memory_space<vmem>>
        %dma_wait3A_77 = arith.constant 0 : i32
        %dma_wait3A_78 = arith.constant 0 : i32
        %dma_wait3A_79 = tpu.memref_slice %arg2[%dma_wait3A_77, %dma_wait3A_78] : memref<20000x128xf32, #tpu.memory_space<hbm>> -> memref<20000x128xf32, #tpu.memory_space<hbm>>
        tpu.wait_indirect_dma semaphore(%run_scoped3A_69 : memref<!tpu.dma_semaphore, #tpu.memory_space<semaphore_mem>>) src(%dma_wait3A_79 : memref<20000x128xf32, #tpu.memory_space<hbm>>) dst(%arg9 : memref<128x128xf32, #tpu.memory_space<vmem>>)
        tpu.yield
      }) : () -> ()
      "tpu.region"() ({
        %run_scoped3A_69 = tpu.sem_alloc : memref<!tpu.dma_semaphore, #tpu.memory_space<semaphore_mem>>
        %dma_start3A = arith.constant 0 : i32
        %dma_start3A_70 = tpu.memref_slice %arg8[%scan3A_68, %dma_start3A] : memref<80x128xi32, #tpu.memory_space<vmem>> -> memref<1x128xi32, #tpu.memory_space<vmem>>
        %dma_start3A_71 = tpu.memref_squeeze %dma_start3A_70 : memref<1x128xi32, #tpu.memory_space<vmem>> -> memref<128xi32, #tpu.memory_space<vmem>>
        %dma_start3A_72 = arith.constant 0 : i32
        %dma_start3A_73 = arith.constant 0 : i32
        %dma_start3A_74 = tpu.memref_slice %arg10[%dma_start3A_72, %dma_start3A_73] : memref<10240x128xf32, #tpu.memory_space<vmem_shared>> -> memref<10240x128xf32, #tpu.memory_space<vmem_shared>>
        tpu.enqueue_indirect_dma source(%arg9 : memref<128x128xf32, #tpu.memory_space<vmem>>) target(%dma_start3A_74 : memref<10240x128xf32, #tpu.memory_space<vmem_shared>>) offsets(%dma_start3A_71 : memref<128xi32, #tpu.memory_space<vmem>>) semaphore(%run_scoped3A_69 : memref<!tpu.dma_semaphore, #tpu.memory_space<semaphore_mem>>) {add = true}
        %dma_wait3A = arith.constant 0 : i32
        %dma_wait3A_75 = tpu.memref_slice %arg8[%scan3A_68, %dma_wait3A] : memref<80x128xi32, #tpu.memory_space<vmem>> -> memref<1x128xi32, #tpu.memory_space<vmem>>
        %dma_wait3A_76 = tpu.memref_squeeze %dma_wait3A_75 : memref<1x128xi32, #tpu.memory_space<vmem>> -> memref<128xi32, #tpu.memory_space<vmem>>
        %dma_wait3A_77 = arith.constant 0 : i32
        %dma_wait3A_78 = arith.constant 0 : i32
        %dma_wait3A_79 = tpu.memref_slice %arg10[%dma_wait3A_77, %dma_wait3A_78] : memref<10240x128xf32, #tpu.memory_space<vmem_shared>> -> memref<10240x128xf32, #tpu.memory_space<vmem_shared>>
        tpu.wait_indirect_dma semaphore(%run_scoped3A_69 : memref<!tpu.dma_semaphore, #tpu.memory_space<semaphore_mem>>) src(%arg9 : memref<128x128xf32, #tpu.memory_space<vmem>>) dst(%dma_wait3A_79 : memref<10240x128xf32, #tpu.memory_space<vmem_shared>>)
        tpu.yield
      }) : () -> ()
    }
    %scan3A_6 = arith.constant 80 : i32
    %barrier3A_7 = arith.constant 0 : index
    tpu.barrier barrier_id(%barrier3A_7)
    %mul3A_8 = arith.constant 640 : i32
    %mul3A_9 = arith.muli %arg1, %mul3A_8 : i32
    %mul3A_10 = arith.constant 640 : i32
    %mul3A_11 = arith.muli %arg1, %mul3A_10 : i32
    %run_scoped3A_12 = arith.constant 0 : i32
    "tpu.region"() ({
      %run_scoped3A_68 = tpu.sem_alloc : memref<!tpu.dma_semaphore, #tpu.memory_space<semaphore_mem>>
      %dma_start3A = arith.constant 0 : i32
      %dma_start3A_69 = tpu.memref_slice %arg6[%run_scoped3A_12, %arg0, %mul3A_11, %dma_start3A] : memref<4x2x10240x128xf32, #tpu.memory_space<hbm>> -> memref<1x1x640x128xf32, #tpu.memory_space<hbm>>
      %dma_start3A_70 = tpu.memref_squeeze %dma_start3A_69 : memref<1x1x640x128xf32, #tpu.memory_space<hbm>> -> memref<640x128xf32, #tpu.memory_space<hbm>>
      %dma_start3A_71 = arith.constant 0 : i32
      %dma_start3A_72 = tpu.memref_slice %arg10[%mul3A_9, %dma_start3A_71] : memref<10240x128xf32, #tpu.memory_space<vmem_shared>> -> memref<640x128xf32, #tpu.memory_space<vmem_shared>>
      tpu.enqueue_dma source(%dma_start3A_72 : memref<640x128xf32, #tpu.memory_space<vmem_shared>>) target(%dma_start3A_70 : memref<640x128xf32, #tpu.memory_space<hbm>>) target_semaphore(%run_scoped3A_68 : memref<!tpu.dma_semaphore, #tpu.memory_space<semaphore_mem>>)
      %dma_wait3A = arith.constant 0 : i32
      %dma_wait3A_73 = tpu.memref_slice %arg6[%run_scoped3A_12, %arg0, %mul3A_11, %dma_wait3A] : memref<4x2x10240x128xf32, #tpu.memory_space<hbm>> -> memref<1x1x640x128xf32, #tpu.memory_space<hbm>>
      %dma_wait3A_74 = tpu.memref_squeeze %dma_wait3A_73 : memref<1x1x640x128xf32, #tpu.memory_space<hbm>> -> memref<640x128xf32, #tpu.memory_space<hbm>>
      %dma_wait3A_75 = arith.constant 0 : i32
      %dma_wait3A_76 = tpu.memref_slice %arg10[%mul3A_9, %dma_wait3A_75] : memref<10240x128xf32, #tpu.memory_space<vmem_shared>> -> memref<640x128xf32, #tpu.memory_space<vmem_shared>>
      tpu.wait_dma2 semaphore(%run_scoped3A_68 : memref<!tpu.dma_semaphore, #tpu.memory_space<semaphore_mem>>) src(%dma_wait3A_76 : memref<640x128xf32, #tpu.memory_space<vmem_shared>>) dst(%dma_wait3A_74 : memref<640x128xf32, #tpu.memory_space<hbm>>)
      tpu.yield
    }) : () -> ()
    %barrier3A_13 = arith.constant 0 : index
    tpu.barrier barrier_id(%barrier3A_13)
    %mul3A_14 = arith.constant 640 : i32
    %mul3A_15 = arith.muli %arg1, %mul3A_14 : i32
    "tpu.region"() ({
      %run_scoped3A_68 = tpu.sem_alloc : memref<!tpu.dma_semaphore, #tpu.memory_space<semaphore_mem>>
      %dma_start3A = arith.constant 0 : i32
      %dma_start3A_69 = tpu.memref_slice %arg10[%mul3A_15, %dma_start3A] : memref<10240x128xf32, #tpu.memory_space<vmem_shared>> -> memref<640x128xf32, #tpu.memory_space<vmem_shared>>
      tpu.enqueue_dma source(%arg5 : memref<640x128xf32, #tpu.memory_space<hbm>>) target(%dma_start3A_69 : memref<640x128xf32, #tpu.memory_space<vmem_shared>>) target_semaphore(%run_scoped3A_68 : memref<!tpu.dma_semaphore, #tpu.memory_space<semaphore_mem>>)
      %dma_wait3A = arith.constant 0 : i32
      %dma_wait3A_70 = tpu.memref_slice %arg10[%mul3A_15, %dma_wait3A] : memref<10240x128xf32, #tpu.memory_space<vmem_shared>> -> memref<640x128xf32, #tpu.memory_space<vmem_shared>>
      tpu.wait_dma2 semaphore(%run_scoped3A_68 : memref<!tpu.dma_semaphore, #tpu.memory_space<semaphore_mem>>) src(%arg5 : memref<640x128xf32, #tpu.memory_space<hbm>>) dst(%dma_wait3A_70 : memref<640x128xf32, #tpu.memory_space<vmem_shared>>)
      tpu.yield
    }) : () -> ()
    %barrier3A_16 = arith.constant 0 : index
    tpu.barrier barrier_id(%barrier3A_16)
    %run_scoped3A_17 = arith.constant 1 : i32
    "tpu.region"() ({
      %run_scoped3A_68 = tpu.sem_alloc : memref<!tpu.dma_semaphore, #tpu.memory_space<semaphore_mem>>
      %dma_start3A = arith.constant 0 : i32
      %dma_start3A_69 = arith.constant 0 : i32
      %dma_start3A_70 = tpu.memref_slice %arg3[%arg0, %run_scoped3A_17, %arg1, %dma_start3A, %dma_start3A_69] : memref<2x4x16x80x128xi32, #tpu.memory_space<hbm>> -> memref<1x1x1x80x128xi32, #tpu.memory_space<hbm>>
      %dma_start3A_71 = tpu.memref_squeeze %dma_start3A_70 : memref<1x1x1x80x128xi32, #tpu.memory_space<hbm>> -> memref<80x128xi32, #tpu.memory_space<hbm>>
      %dma_start3A_72 = arith.constant 0 : i32
      %dma_start3A_73 = arith.constant 0 : i32
      %dma_start3A_74 = tpu.memref_slice %arg3[%arg0, %run_scoped3A_17, %arg1, %dma_start3A_72, %dma_start3A_73] : memref<2x4x16x80x128xi32, #tpu.memory_space<hbm>> -> memref<1x1x1x80x128xi32, #tpu.memory_space<hbm>>
      %dma_start3A_75 = tpu.memref_squeeze %dma_start3A_74 : memref<1x1x1x80x128xi32, #tpu.memory_space<hbm>> -> memref<80x128xi32, #tpu.memory_space<hbm>>
      tpu.enqueue_dma source(%dma_start3A_75 : memref<80x128xi32, #tpu.memory_space<hbm>>) target(%arg7 : memref<80x128xi32, #tpu.memory_space<vmem>>) target_semaphore(%run_scoped3A_68 : memref<!tpu.dma_semaphore, #tpu.memory_space<semaphore_mem>>)
      %dma_wait3A = arith.constant 0 : i32
      %dma_wait3A_76 = arith.constant 0 : i32
      %dma_wait3A_77 = tpu.memref_slice %arg3[%arg0, %run_scoped3A_17, %arg1, %dma_wait3A, %dma_wait3A_76] : memref<2x4x16x80x128xi32, #tpu.memory_space<hbm>> -> memref<1x1x1x80x128xi32, #tpu.memory_space<hbm>>
      %dma_wait3A_78 = tpu.memref_squeeze %dma_wait3A_77 : memref<1x1x1x80x128xi32, #tpu.memory_space<hbm>> -> memref<80x128xi32, #tpu.memory_space<hbm>>
      %dma_wait3A_79 = arith.constant 0 : i32
      %dma_wait3A_80 = arith.constant 0 : i32
      %dma_wait3A_81 = tpu.memref_slice %arg3[%arg0, %run_scoped3A_17, %arg1, %dma_wait3A_79, %dma_wait3A_80] : memref<2x4x16x80x128xi32, #tpu.memory_space<hbm>> -> memref<1x1x1x80x128xi32, #tpu.memory_space<hbm>>
      %dma_wait3A_82 = tpu.memref_squeeze %dma_wait3A_81 : memref<1x1x1x80x128xi32, #tpu.memory_space<hbm>> -> memref<80x128xi32, #tpu.memory_space<hbm>>
      tpu.wait_dma2 semaphore(%run_scoped3A_68 : memref<!tpu.dma_semaphore, #tpu.memory_space<semaphore_mem>>) src(%dma_wait3A_82 : memref<80x128xi32, #tpu.memory_space<hbm>>) dst(%arg7 : memref<80x128xi32, #tpu.memory_space<vmem>>)
      tpu.yield
    }) : () -> ()
    %run_scoped3A_18 = arith.constant 1 : i32
    "tpu.region"() ({
      %run_scoped3A_68 = tpu.sem_alloc : memref<!tpu.dma_semaphore, #tpu.memory_space<semaphore_mem>>
      %dma_start3A = arith.constant 0 : i32
      %dma_start3A_69 = arith.constant 0 : i32
      %dma_start3A_70 = tpu.memref_slice %arg4[%run_scoped3A_18, %arg1, %dma_start3A, %dma_start3A_69] : memref<4x16x80x128xi32, #tpu.memory_space<hbm>> -> memref<1x1x80x128xi32, #tpu.memory_space<hbm>>
      %dma_start3A_71 = tpu.memref_squeeze %dma_start3A_70 : memref<1x1x80x128xi32, #tpu.memory_space<hbm>> -> memref<80x128xi32, #tpu.memory_space<hbm>>
      %dma_start3A_72 = arith.constant 0 : i32
      %dma_start3A_73 = arith.constant 0 : i32
      %dma_start3A_74 = tpu.memref_slice %arg4[%run_scoped3A_18, %arg1, %dma_start3A_72, %dma_start3A_73] : memref<4x16x80x128xi32, #tpu.memory_space<hbm>> -> memref<1x1x80x128xi32, #tpu.memory_space<hbm>>
      %dma_start3A_75 = tpu.memref_squeeze %dma_start3A_74 : memref<1x1x80x128xi32, #tpu.memory_space<hbm>> -> memref<80x128xi32, #tpu.memory_space<hbm>>
      tpu.enqueue_dma source(%dma_start3A_75 : memref<80x128xi32, #tpu.memory_space<hbm>>) target(%arg8 : memref<80x128xi32, #tpu.memory_space<vmem>>) target_semaphore(%run_scoped3A_68 : memref<!tpu.dma_semaphore, #tpu.memory_space<semaphore_mem>>)
      %dma_wait3A = arith.constant 0 : i32
      %dma_wait3A_76 = arith.constant 0 : i32
      %dma_wait3A_77 = tpu.memref_slice %arg4[%run_scoped3A_18, %arg1, %dma_wait3A, %dma_wait3A_76] : memref<4x16x80x128xi32, #tpu.memory_space<hbm>> -> memref<1x1x80x128xi32, #tpu.memory_space<hbm>>
      %dma_wait3A_78 = tpu.memref_squeeze %dma_wait3A_77 : memref<1x1x80x128xi32, #tpu.memory_space<hbm>> -> memref<80x128xi32, #tpu.memory_space<hbm>>
      %dma_wait3A_79 = arith.constant 0 : i32
      %dma_wait3A_80 = arith.constant 0 : i32
      %dma_wait3A_81 = tpu.memref_slice %arg4[%run_scoped3A_18, %arg1, %dma_wait3A_79, %dma_wait3A_80] : memref<4x16x80x128xi32, #tpu.memory_space<hbm>> -> memref<1x1x80x128xi32, #tpu.memory_space<hbm>>
      %dma_wait3A_82 = tpu.memref_squeeze %dma_wait3A_81 : memref<1x1x80x128xi32, #tpu.memory_space<hbm>> -> memref<80x128xi32, #tpu.memory_space<hbm>>
      tpu.wait_dma2 semaphore(%run_scoped3A_68 : memref<!tpu.dma_semaphore, #tpu.memory_space<semaphore_mem>>) src(%dma_wait3A_82 : memref<80x128xi32, #tpu.memory_space<hbm>>) dst(%arg8 : memref<80x128xi32, #tpu.memory_space<vmem>>)
      tpu.yield
    }) : () -> ()
    %scan3A_19 = arith.constant 0 : i32
    %scan3A_20 = arith.constant 0 : i32
    %scan3A_21 = arith.constant 80 : i32
    %scan3A_22 = arith.addi %scan3A_20, %scan3A_21 : i32
    %scan3A_23 = arith.constant 1 : i32
    scf.for %scan3A_68 = %scan3A_20 to %scan3A_22 step %scan3A_23  : i32 {
      "tpu.region"() ({
        %run_scoped3A_69 = tpu.sem_alloc : memref<!tpu.dma_semaphore, #tpu.memory_space<semaphore_mem>>
        %dma_start3A = arith.constant 0 : i32
        %dma_start3A_70 = tpu.memref_slice %arg7[%scan3A_68, %dma_start3A] : memref<80x128xi32, #tpu.memory_space<vmem>> -> memref<1x128xi32, #tpu.memory_space<vmem>>
        %dma_start3A_71 = tpu.memref_squeeze %dma_start3A_70 : memref<1x128xi32, #tpu.memory_space<vmem>> -> memref<128xi32, #tpu.memory_space<vmem>>
        %dma_start3A_72 = arith.constant 0 : i32
        %dma_start3A_73 = arith.constant 0 : i32
        %dma_start3A_74 = tpu.memref_slice %arg2[%dma_start3A_72, %dma_start3A_73] : memref<20000x128xf32, #tpu.memory_space<hbm>> -> memref<20000x128xf32, #tpu.memory_space<hbm>>
        tpu.enqueue_indirect_dma source(%dma_start3A_74 : memref<20000x128xf32, #tpu.memory_space<hbm>>) target(%arg9 : memref<128x128xf32, #tpu.memory_space<vmem>>) offsets(%dma_start3A_71 : memref<128xi32, #tpu.memory_space<vmem>>) semaphore(%run_scoped3A_69 : memref<!tpu.dma_semaphore, #tpu.memory_space<semaphore_mem>>)
        %dma_wait3A = arith.constant 0 : i32
        %dma_wait3A_75 = tpu.memref_slice %arg7[%scan3A_68, %dma_wait3A] : memref<80x128xi32, #tpu.memory_space<vmem>> -> memref<1x128xi32, #tpu.memory_space<vmem>>
        %dma_wait3A_76 = tpu.memref_squeeze %dma_wait3A_75 : memref<1x128xi32, #tpu.memory_space<vmem>> -> memref<128xi32, #tpu.memory_space<vmem>>
        %dma_wait3A_77 = arith.constant 0 : i32
        %dma_wait3A_78 = arith.constant 0 : i32
        %dma_wait3A_79 = tpu.memref_slice %arg2[%dma_wait3A_77, %dma_wait3A_78] : memref<20000x128xf32, #tpu.memory_space<hbm>> -> memref<20000x128xf32, #tpu.memory_space<hbm>>
        tpu.wait_indirect_dma semaphore(%run_scoped3A_69 : memref<!tpu.dma_semaphore, #tpu.memory_space<semaphore_mem>>) src(%dma_wait3A_79 : memref<20000x128xf32, #tpu.memory_space<hbm>>) dst(%arg9 : memref<128x128xf32, #tpu.memory_space<vmem>>)
        tpu.yield
      }) : () -> ()
      "tpu.region"() ({
        %run_scoped3A_69 = tpu.sem_alloc : memref<!tpu.dma_semaphore, #tpu.memory_space<semaphore_mem>>
        %dma_start3A = arith.constant 0 : i32
        %dma_start3A_70 = tpu.memref_slice %arg8[%scan3A_68, %dma_start3A] : memref<80x128xi32, #tpu.memory_space<vmem>> -> memref<1x128xi32, #tpu.memory_space<vmem>>
        %dma_start3A_71 = tpu.memref_squeeze %dma_start3A_70 : memref<1x128xi32, #tpu.memory_space<vmem>> -> memref<128xi32, #tpu.memory_space<vmem>>
        %dma_start3A_72 = arith.constant 0 : i32
        %dma_start3A_73 = arith.constant 0 : i32
        %dma_start3A_74 = tpu.memref_slice %arg10[%dma_start3A_72, %dma_start3A_73] : memref<10240x128xf32, #tpu.memory_space<vmem_shared>> -> memref<10240x128xf32, #tpu.memory_space<vmem_shared>>
        tpu.enqueue_indirect_dma source(%arg9 : memref<128x128xf32, #tpu.memory_space<vmem>>) target(%dma_start3A_74 : memref<10240x128xf32, #tpu.memory_space<vmem_shared>>) offsets(%dma_start3A_71 : memref<128xi32, #tpu.memory_space<vmem>>) semaphore(%run_scoped3A_69 : memref<!tpu.dma_semaphore, #tpu.memory_space<semaphore_mem>>) {add = true}
        %dma_wait3A = arith.constant 0 : i32
        %dma_wait3A_75 = tpu.memref_slice %arg8[%scan3A_68, %dma_wait3A] : memref<80x128xi32, #tpu.memory_space<vmem>> -> memref<1x128xi32, #tpu.memory_space<vmem>>
        %dma_wait3A_76 = tpu.memref_squeeze %dma_wait3A_75 : memref<1x128xi32, #tpu.memory_space<vmem>> -> memref<128xi32, #tpu.memory_space<vmem>>
        %dma_wait3A_77 = arith.constant 0 : i32
        %dma_wait3A_78 = arith.constant 0 : i32
        %dma_wait3A_79 = tpu.memref_slice %arg10[%dma_wait3A_77, %dma_wait3A_78] : memref<10240x128xf32, #tpu.memory_space<vmem_shared>> -> memref<10240x128xf32, #tpu.memory_space<vmem_shared>>
        tpu.wait_indirect_dma semaphore(%run_scoped3A_69 : memref<!tpu.dma_semaphore, #tpu.memory_space<semaphore_mem>>) src(%arg9 : memref<128x128xf32, #tpu.memory_space<vmem>>) dst(%dma_wait3A_79 : memref<10240x128xf32, #tpu.memory_space<vmem_shared>>)
        tpu.yield
      }) : () -> ()
    }
    %scan3A_24 = arith.constant 80 : i32
    %barrier3A_25 = arith.constant 0 : index
    tpu.barrier barrier_id(%barrier3A_25)
    %mul3A_26 = arith.constant 640 : i32
    %mul3A_27 = arith.muli %arg1, %mul3A_26 : i32
    %mul3A_28 = arith.constant 640 : i32
    %mul3A_29 = arith.muli %arg1, %mul3A_28 : i32
    %run_scoped3A_30 = arith.constant 1 : i32
    "tpu.region"() ({
      %run_scoped3A_68 = tpu.sem_alloc : memref<!tpu.dma_semaphore, #tpu.memory_space<semaphore_mem>>
      %dma_start3A = arith.constant 0 : i32
      %dma_start3A_69 = tpu.memref_slice %arg6[%run_scoped3A_30, %arg0, %mul3A_29, %dma_start3A] : memref<4x2x10240x128xf32, #tpu.memory_space<hbm>> -> memref<1x1x640x128xf32, #tpu.memory_space<hbm>>
      %dma_start3A_70 = tpu.memref_squeeze %dma_start3A_69 : memref<1x1x640x128xf32, #tpu.memory_space<hbm>> -> memref<640x128xf32, #tpu.memory_space<hbm>>
      %dma_start3A_71 = arith.constant 0 : i32
      %dma_start3A_72 = tpu.memref_slice %arg10[%mul3A_27, %dma_start3A_71] : memref<10240x128xf32, #tpu.memory_space<vmem_shared>> -> memref<640x128xf32, #tpu.memory_space<vmem_shared>>
      tpu.enqueue_dma source(%dma_start3A_72 : memref<640x128xf32, #tpu.memory_space<vmem_shared>>) target(%dma_start3A_70 : memref<640x128xf32, #tpu.memory_space<hbm>>) target_semaphore(%run_scoped3A_68 : memref<!tpu.dma_semaphore, #tpu.memory_space<semaphore_mem>>)
      %dma_wait3A = arith.constant 0 : i32
      %dma_wait3A_73 = tpu.memref_slice %arg6[%run_scoped3A_30, %arg0, %mul3A_29, %dma_wait3A] : memref<4x2x10240x128xf32, #tpu.memory_space<hbm>> -> memref<1x1x640x128xf32, #tpu.memory_space<hbm>>
      %dma_wait3A_74 = tpu.memref_squeeze %dma_wait3A_73 : memref<1x1x640x128xf32, #tpu.memory_space<hbm>> -> memref<640x128xf32, #tpu.memory_space<hbm>>
      %dma_wait3A_75 = arith.constant 0 : i32
      %dma_wait3A_76 = tpu.memref_slice %arg10[%mul3A_27, %dma_wait3A_75] : memref<10240x128xf32, #tpu.memory_space<vmem_shared>> -> memref<640x128xf32, #tpu.memory_space<vmem_shared>>
      tpu.wait_dma2 semaphore(%run_scoped3A_68 : memref<!tpu.dma_semaphore, #tpu.memory_space<semaphore_mem>>) src(%dma_wait3A_76 : memref<640x128xf32, #tpu.memory_space<vmem_shared>>) dst(%dma_wait3A_74 : memref<640x128xf32, #tpu.memory_space<hbm>>)
      tpu.yield
    }) : () -> ()
    %barrier3A_31 = arith.constant 0 : index
    tpu.barrier barrier_id(%barrier3A_31)
    %mul3A_32 = arith.constant 640 : i32
    %mul3A_33 = arith.muli %arg1, %mul3A_32 : i32
    "tpu.region"() ({
      %run_scoped3A_68 = tpu.sem_alloc : memref<!tpu.dma_semaphore, #tpu.memory_space<semaphore_mem>>
      %dma_start3A = arith.constant 0 : i32
      %dma_start3A_69 = tpu.memref_slice %arg10[%mul3A_33, %dma_start3A] : memref<10240x128xf32, #tpu.memory_space<vmem_shared>> -> memref<640x128xf32, #tpu.memory_space<vmem_shared>>
      tpu.enqueue_dma source(%arg5 : memref<640x128xf32, #tpu.memory_space<hbm>>) target(%dma_start3A_69 : memref<640x128xf32, #tpu.memory_space<vmem_shared>>) target_semaphore(%run_scoped3A_68 : memref<!tpu.dma_semaphore, #tpu.memory_space<semaphore_mem>>)
      %dma_wait3A = arith.constant 0 : i32
      %dma_wait3A_70 = tpu.memref_slice %arg10[%mul3A_33, %dma_wait3A] : memref<10240x128xf32, #tpu.memory_space<vmem_shared>> -> memref<640x128xf32, #tpu.memory_space<vmem_shared>>
      tpu.wait_dma2 semaphore(%run_scoped3A_68 : memref<!tpu.dma_semaphore, #tpu.memory_space<semaphore_mem>>) src(%arg5 : memref<640x128xf32, #tpu.memory_space<hbm>>) dst(%dma_wait3A_70 : memref<640x128xf32, #tpu.memory_space<vmem_shared>>)
      tpu.yield
    }) : () -> ()
    %barrier3A_34 = arith.constant 0 : index
    tpu.barrier barrier_id(%barrier3A_34)
    %run_scoped3A_35 = arith.constant 2 : i32
    "tpu.region"() ({
      %run_scoped3A_68 = tpu.sem_alloc : memref<!tpu.dma_semaphore, #tpu.memory_space<semaphore_mem>>
      %dma_start3A = arith.constant 0 : i32
      %dma_start3A_69 = arith.constant 0 : i32
      %dma_start3A_70 = tpu.memref_slice %arg3[%arg0, %run_scoped3A_35, %arg1, %dma_start3A, %dma_start3A_69] : memref<2x4x16x80x128xi32, #tpu.memory_space<hbm>> -> memref<1x1x1x80x128xi32, #tpu.memory_space<hbm>>
      %dma_start3A_71 = tpu.memref_squeeze %dma_start3A_70 : memref<1x1x1x80x128xi32, #tpu.memory_space<hbm>> -> memref<80x128xi32, #tpu.memory_space<hbm>>
      %dma_start3A_72 = arith.constant 0 : i32
      %dma_start3A_73 = arith.constant 0 : i32
      %dma_start3A_74 = tpu.memref_slice %arg3[%arg0, %run_scoped3A_35, %arg1, %dma_start3A_72, %dma_start3A_73] : memref<2x4x16x80x128xi32, #tpu.memory_space<hbm>> -> memref<1x1x1x80x128xi32, #tpu.memory_space<hbm>>
      %dma_start3A_75 = tpu.memref_squeeze %dma_start3A_74 : memref<1x1x1x80x128xi32, #tpu.memory_space<hbm>> -> memref<80x128xi32, #tpu.memory_space<hbm>>
      tpu.enqueue_dma source(%dma_start3A_75 : memref<80x128xi32, #tpu.memory_space<hbm>>) target(%arg7 : memref<80x128xi32, #tpu.memory_space<vmem>>) target_semaphore(%run_scoped3A_68 : memref<!tpu.dma_semaphore, #tpu.memory_space<semaphore_mem>>)
      %dma_wait3A = arith.constant 0 : i32
      %dma_wait3A_76 = arith.constant 0 : i32
      %dma_wait3A_77 = tpu.memref_slice %arg3[%arg0, %run_scoped3A_35, %arg1, %dma_wait3A, %dma_wait3A_76] : memref<2x4x16x80x128xi32, #tpu.memory_space<hbm>> -> memref<1x1x1x80x128xi32, #tpu.memory_space<hbm>>
      %dma_wait3A_78 = tpu.memref_squeeze %dma_wait3A_77 : memref<1x1x1x80x128xi32, #tpu.memory_space<hbm>> -> memref<80x128xi32, #tpu.memory_space<hbm>>
      %dma_wait3A_79 = arith.constant 0 : i32
      %dma_wait3A_80 = arith.constant 0 : i32
      %dma_wait3A_81 = tpu.memref_slice %arg3[%arg0, %run_scoped3A_35, %arg1, %dma_wait3A_79, %dma_wait3A_80] : memref<2x4x16x80x128xi32, #tpu.memory_space<hbm>> -> memref<1x1x1x80x128xi32, #tpu.memory_space<hbm>>
      %dma_wait3A_82 = tpu.memref_squeeze %dma_wait3A_81 : memref<1x1x1x80x128xi32, #tpu.memory_space<hbm>> -> memref<80x128xi32, #tpu.memory_space<hbm>>
      tpu.wait_dma2 semaphore(%run_scoped3A_68 : memref<!tpu.dma_semaphore, #tpu.memory_space<semaphore_mem>>) src(%dma_wait3A_82 : memref<80x128xi32, #tpu.memory_space<hbm>>) dst(%arg7 : memref<80x128xi32, #tpu.memory_space<vmem>>)
      tpu.yield
    }) : () -> ()
    %run_scoped3A_36 = arith.constant 2 : i32
    "tpu.region"() ({
      %run_scoped3A_68 = tpu.sem_alloc : memref<!tpu.dma_semaphore, #tpu.memory_space<semaphore_mem>>
      %dma_start3A = arith.constant 0 : i32
      %dma_start3A_69 = arith.constant 0 : i32
      %dma_start3A_70 = tpu.memref_slice %arg4[%run_scoped3A_36, %arg1, %dma_start3A, %dma_start3A_69] : memref<4x16x80x128xi32, #tpu.memory_space<hbm>> -> memref<1x1x80x128xi32, #tpu.memory_space<hbm>>
      %dma_start3A_71 = tpu.memref_squeeze %dma_start3A_70 : memref<1x1x80x128xi32, #tpu.memory_space<hbm>> -> memref<80x128xi32, #tpu.memory_space<hbm>>
      %dma_start3A_72 = arith.constant 0 : i32
      %dma_start3A_73 = arith.constant 0 : i32
      %dma_start3A_74 = tpu.memref_slice %arg4[%run_scoped3A_36, %arg1, %dma_start3A_72, %dma_start3A_73] : memref<4x16x80x128xi32, #tpu.memory_space<hbm>> -> memref<1x1x80x128xi32, #tpu.memory_space<hbm>>
      %dma_start3A_75 = tpu.memref_squeeze %dma_start3A_74 : memref<1x1x80x128xi32, #tpu.memory_space<hbm>> -> memref<80x128xi32, #tpu.memory_space<hbm>>
      tpu.enqueue_dma source(%dma_start3A_75 : memref<80x128xi32, #tpu.memory_space<hbm>>) target(%arg8 : memref<80x128xi32, #tpu.memory_space<vmem>>) target_semaphore(%run_scoped3A_68 : memref<!tpu.dma_semaphore, #tpu.memory_space<semaphore_mem>>)
      %dma_wait3A = arith.constant 0 : i32
      %dma_wait3A_76 = arith.constant 0 : i32
      %dma_wait3A_77 = tpu.memref_slice %arg4[%run_scoped3A_36, %arg1, %dma_wait3A, %dma_wait3A_76] : memref<4x16x80x128xi32, #tpu.memory_space<hbm>> -> memref<1x1x80x128xi32, #tpu.memory_space<hbm>>
      %dma_wait3A_78 = tpu.memref_squeeze %dma_wait3A_77 : memref<1x1x80x128xi32, #tpu.memory_space<hbm>> -> memref<80x128xi32, #tpu.memory_space<hbm>>
      %dma_wait3A_79 = arith.constant 0 : i32
      %dma_wait3A_80 = arith.constant 0 : i32
      %dma_wait3A_81 = tpu.memref_slice %arg4[%run_scoped3A_36, %arg1, %dma_wait3A_79, %dma_wait3A_80] : memref<4x16x80x128xi32, #tpu.memory_space<hbm>> -> memref<1x1x80x128xi32, #tpu.memory_space<hbm>>
      %dma_wait3A_82 = tpu.memref_squeeze %dma_wait3A_81 : memref<1x1x80x128xi32, #tpu.memory_space<hbm>> -> memref<80x128xi32, #tpu.memory_space<hbm>>
      tpu.wait_dma2 semaphore(%run_scoped3A_68 : memref<!tpu.dma_semaphore, #tpu.memory_space<semaphore_mem>>) src(%dma_wait3A_82 : memref<80x128xi32, #tpu.memory_space<hbm>>) dst(%arg8 : memref<80x128xi32, #tpu.memory_space<vmem>>)
      tpu.yield
    }) : () -> ()
    %scan3A_37 = arith.constant 0 : i32
    %scan3A_38 = arith.constant 0 : i32
    %scan3A_39 = arith.constant 80 : i32
    %scan3A_40 = arith.addi %scan3A_38, %scan3A_39 : i32
    %scan3A_41 = arith.constant 1 : i32
    scf.for %scan3A_68 = %scan3A_38 to %scan3A_40 step %scan3A_41  : i32 {
      "tpu.region"() ({
        %run_scoped3A_69 = tpu.sem_alloc : memref<!tpu.dma_semaphore, #tpu.memory_space<semaphore_mem>>
        %dma_start3A = arith.constant 0 : i32
        %dma_start3A_70 = tpu.memref_slice %arg7[%scan3A_68, %dma_start3A] : memref<80x128xi32, #tpu.memory_space<vmem>> -> memref<1x128xi32, #tpu.memory_space<vmem>>
        %dma_start3A_71 = tpu.memref_squeeze %dma_start3A_70 : memref<1x128xi32, #tpu.memory_space<vmem>> -> memref<128xi32, #tpu.memory_space<vmem>>
        %dma_start3A_72 = arith.constant 0 : i32
        %dma_start3A_73 = arith.constant 0 : i32
        %dma_start3A_74 = tpu.memref_slice %arg2[%dma_start3A_72, %dma_start3A_73] : memref<20000x128xf32, #tpu.memory_space<hbm>> -> memref<20000x128xf32, #tpu.memory_space<hbm>>
        tpu.enqueue_indirect_dma source(%dma_start3A_74 : memref<20000x128xf32, #tpu.memory_space<hbm>>) target(%arg9 : memref<128x128xf32, #tpu.memory_space<vmem>>) offsets(%dma_start3A_71 : memref<128xi32, #tpu.memory_space<vmem>>) semaphore(%run_scoped3A_69 : memref<!tpu.dma_semaphore, #tpu.memory_space<semaphore_mem>>)
        %dma_wait3A = arith.constant 0 : i32
        %dma_wait3A_75 = tpu.memref_slice %arg7[%scan3A_68, %dma_wait3A] : memref<80x128xi32, #tpu.memory_space<vmem>> -> memref<1x128xi32, #tpu.memory_space<vmem>>
        %dma_wait3A_76 = tpu.memref_squeeze %dma_wait3A_75 : memref<1x128xi32, #tpu.memory_space<vmem>> -> memref<128xi32, #tpu.memory_space<vmem>>
        %dma_wait3A_77 = arith.constant 0 : i32
        %dma_wait3A_78 = arith.constant 0 : i32
        %dma_wait3A_79 = tpu.memref_slice %arg2[%dma_wait3A_77, %dma_wait3A_78] : memref<20000x128xf32, #tpu.memory_space<hbm>> -> memref<20000x128xf32, #tpu.memory_space<hbm>>
        tpu.wait_indirect_dma semaphore(%run_scoped3A_69 : memref<!tpu.dma_semaphore, #tpu.memory_space<semaphore_mem>>) src(%dma_wait3A_79 : memref<20000x128xf32, #tpu.memory_space<hbm>>) dst(%arg9 : memref<128x128xf32, #tpu.memory_space<vmem>>)
        tpu.yield
      }) : () -> ()
      "tpu.region"() ({
        %run_scoped3A_69 = tpu.sem_alloc : memref<!tpu.dma_semaphore, #tpu.memory_space<semaphore_mem>>
        %dma_start3A = arith.constant 0 : i32
        %dma_start3A_70 = tpu.memref_slice %arg8[%scan3A_68, %dma_start3A] : memref<80x128xi32, #tpu.memory_space<vmem>> -> memref<1x128xi32, #tpu.memory_space<vmem>>
        %dma_start3A_71 = tpu.memref_squeeze %dma_start3A_70 : memref<1x128xi32, #tpu.memory_space<vmem>> -> memref<128xi32, #tpu.memory_space<vmem>>
        %dma_start3A_72 = arith.constant 0 : i32
        %dma_start3A_73 = arith.constant 0 : i32
        %dma_start3A_74 = tpu.memref_slice %arg10[%dma_start3A_72, %dma_start3A_73] : memref<10240x128xf32, #tpu.memory_space<vmem_shared>> -> memref<10240x128xf32, #tpu.memory_space<vmem_shared>>
        tpu.enqueue_indirect_dma source(%arg9 : memref<128x128xf32, #tpu.memory_space<vmem>>) target(%dma_start3A_74 : memref<10240x128xf32, #tpu.memory_space<vmem_shared>>) offsets(%dma_start3A_71 : memref<128xi32, #tpu.memory_space<vmem>>) semaphore(%run_scoped3A_69 : memref<!tpu.dma_semaphore, #tpu.memory_space<semaphore_mem>>) {add = true}
        %dma_wait3A = arith.constant 0 : i32
        %dma_wait3A_75 = tpu.memref_slice %arg8[%scan3A_68, %dma_wait3A] : memref<80x128xi32, #tpu.memory_space<vmem>> -> memref<1x128xi32, #tpu.memory_space<vmem>>
        %dma_wait3A_76 = tpu.memref_squeeze %dma_wait3A_75 : memref<1x128xi32, #tpu.memory_space<vmem>> -> memref<128xi32, #tpu.memory_space<vmem>>
        %dma_wait3A_77 = arith.constant 0 : i32
        %dma_wait3A_78 = arith.constant 0 : i32
        %dma_wait3A_79 = tpu.memref_slice %arg10[%dma_wait3A_77, %dma_wait3A_78] : memref<10240x128xf32, #tpu.memory_space<vmem_shared>> -> memref<10240x128xf32, #tpu.memory_space<vmem_shared>>
        tpu.wait_indirect_dma semaphore(%run_scoped3A_69 : memref<!tpu.dma_semaphore, #tpu.memory_space<semaphore_mem>>) src(%arg9 : memref<128x128xf32, #tpu.memory_space<vmem>>) dst(%dma_wait3A_79 : memref<10240x128xf32, #tpu.memory_space<vmem_shared>>)
        tpu.yield
      }) : () -> ()
    }
    %scan3A_42 = arith.constant 80 : i32
    %barrier3A_43 = arith.constant 0 : index
    tpu.barrier barrier_id(%barrier3A_43)
    %mul3A_44 = arith.constant 640 : i32
    %mul3A_45 = arith.muli %arg1, %mul3A_44 : i32
    %mul3A_46 = arith.constant 640 : i32
    %mul3A_47 = arith.muli %arg1, %mul3A_46 : i32
    %run_scoped3A_48 = arith.constant 2 : i32
    "tpu.region"() ({
      %run_scoped3A_68 = tpu.sem_alloc : memref<!tpu.dma_semaphore, #tpu.memory_space<semaphore_mem>>
      %dma_start3A = arith.constant 0 : i32
      %dma_start3A_69 = tpu.memref_slice %arg6[%run_scoped3A_48, %arg0, %mul3A_47, %dma_start3A] : memref<4x2x10240x128xf32, #tpu.memory_space<hbm>> -> memref<1x1x640x128xf32, #tpu.memory_space<hbm>>
      %dma_start3A_70 = tpu.memref_squeeze %dma_start3A_69 : memref<1x1x640x128xf32, #tpu.memory_space<hbm>> -> memref<640x128xf32, #tpu.memory_space<hbm>>
      %dma_start3A_71 = arith.constant 0 : i32
      %dma_start3A_72 = tpu.memref_slice %arg10[%mul3A_45, %dma_start3A_71] : memref<10240x128xf32, #tpu.memory_space<vmem_shared>> -> memref<640x128xf32, #tpu.memory_space<vmem_shared>>
      tpu.enqueue_dma source(%dma_start3A_72 : memref<640x128xf32, #tpu.memory_space<vmem_shared>>) target(%dma_start3A_70 : memref<640x128xf32, #tpu.memory_space<hbm>>) target_semaphore(%run_scoped3A_68 : memref<!tpu.dma_semaphore, #tpu.memory_space<semaphore_mem>>)
      %dma_wait3A = arith.constant 0 : i32
      %dma_wait3A_73 = tpu.memref_slice %arg6[%run_scoped3A_48, %arg0, %mul3A_47, %dma_wait3A] : memref<4x2x10240x128xf32, #tpu.memory_space<hbm>> -> memref<1x1x640x128xf32, #tpu.memory_space<hbm>>
      %dma_wait3A_74 = tpu.memref_squeeze %dma_wait3A_73 : memref<1x1x640x128xf32, #tpu.memory_space<hbm>> -> memref<640x128xf32, #tpu.memory_space<hbm>>
      %dma_wait3A_75 = arith.constant 0 : i32
      %dma_wait3A_76 = tpu.memref_slice %arg10[%mul3A_45, %dma_wait3A_75] : memref<10240x128xf32, #tpu.memory_space<vmem_shared>> -> memref<640x128xf32, #tpu.memory_space<vmem_shared>>
      tpu.wait_dma2 semaphore(%run_scoped3A_68 : memref<!tpu.dma_semaphore, #tpu.memory_space<semaphore_mem>>) src(%dma_wait3A_76 : memref<640x128xf32, #tpu.memory_space<vmem_shared>>) dst(%dma_wait3A_74 : memref<640x128xf32, #tpu.memory_space<hbm>>)
      tpu.yield
    }) : () -> ()
    %barrier3A_49 = arith.constant 0 : index
    tpu.barrier barrier_id(%barrier3A_49)
    %mul3A_50 = arith.constant 640 : i32
    %mul3A_51 = arith.muli %arg1, %mul3A_50 : i32
    "tpu.region"() ({
      %run_scoped3A_68 = tpu.sem_alloc : memref<!tpu.dma_semaphore, #tpu.memory_space<semaphore_mem>>
      %dma_start3A = arith.constant 0 : i32
      %dma_start3A_69 = tpu.memref_slice %arg10[%mul3A_51, %dma_start3A] : memref<10240x128xf32, #tpu.memory_space<vmem_shared>> -> memref<640x128xf32, #tpu.memory_space<vmem_shared>>
      tpu.enqueue_dma source(%arg5 : memref<640x128xf32, #tpu.memory_space<hbm>>) target(%dma_start3A_69 : memref<640x128xf32, #tpu.memory_space<vmem_shared>>) target_semaphore(%run_scoped3A_68 : memref<!tpu.dma_semaphore, #tpu.memory_space<semaphore_mem>>)
      %dma_wait3A = arith.constant 0 : i32
      %dma_wait3A_70 = tpu.memref_slice %arg10[%mul3A_51, %dma_wait3A] : memref<10240x128xf32, #tpu.memory_space<vmem_shared>> -> memref<640x128xf32, #tpu.memory_space<vmem_shared>>
      tpu.wait_dma2 semaphore(%run_scoped3A_68 : memref<!tpu.dma_semaphore, #tpu.memory_space<semaphore_mem>>) src(%arg5 : memref<640x128xf32, #tpu.memory_space<hbm>>) dst(%dma_wait3A_70 : memref<640x128xf32, #tpu.memory_space<vmem_shared>>)
      tpu.yield
    }) : () -> ()
    %barrier3A_52 = arith.constant 0 : index
    tpu.barrier barrier_id(%barrier3A_52)
    %run_scoped3A_53 = arith.constant 3 : i32
    "tpu.region"() ({
      %run_scoped3A_68 = tpu.sem_alloc : memref<!tpu.dma_semaphore, #tpu.memory_space<semaphore_mem>>
      %dma_start3A = arith.constant 0 : i32
      %dma_start3A_69 = arith.constant 0 : i32
      %dma_start3A_70 = tpu.memref_slice %arg3[%arg0, %run_scoped3A_53, %arg1, %dma_start3A, %dma_start3A_69] : memref<2x4x16x80x128xi32, #tpu.memory_space<hbm>> -> memref<1x1x1x80x128xi32, #tpu.memory_space<hbm>>
      %dma_start3A_71 = tpu.memref_squeeze %dma_start3A_70 : memref<1x1x1x80x128xi32, #tpu.memory_space<hbm>> -> memref<80x128xi32, #tpu.memory_space<hbm>>
      %dma_start3A_72 = arith.constant 0 : i32
      %dma_start3A_73 = arith.constant 0 : i32
      %dma_start3A_74 = tpu.memref_slice %arg3[%arg0, %run_scoped3A_53, %arg1, %dma_start3A_72, %dma_start3A_73] : memref<2x4x16x80x128xi32, #tpu.memory_space<hbm>> -> memref<1x1x1x80x128xi32, #tpu.memory_space<hbm>>
      %dma_start3A_75 = tpu.memref_squeeze %dma_start3A_74 : memref<1x1x1x80x128xi32, #tpu.memory_space<hbm>> -> memref<80x128xi32, #tpu.memory_space<hbm>>
      tpu.enqueue_dma source(%dma_start3A_75 : memref<80x128xi32, #tpu.memory_space<hbm>>) target(%arg7 : memref<80x128xi32, #tpu.memory_space<vmem>>) target_semaphore(%run_scoped3A_68 : memref<!tpu.dma_semaphore, #tpu.memory_space<semaphore_mem>>)
      %dma_wait3A = arith.constant 0 : i32
      %dma_wait3A_76 = arith.constant 0 : i32
      %dma_wait3A_77 = tpu.memref_slice %arg3[%arg0, %run_scoped3A_53, %arg1, %dma_wait3A, %dma_wait3A_76] : memref<2x4x16x80x128xi32, #tpu.memory_space<hbm>> -> memref<1x1x1x80x128xi32, #tpu.memory_space<hbm>>
      %dma_wait3A_78 = tpu.memref_squeeze %dma_wait3A_77 : memref<1x1x1x80x128xi32, #tpu.memory_space<hbm>> -> memref<80x128xi32, #tpu.memory_space<hbm>>
      %dma_wait3A_79 = arith.constant 0 : i32
      %dma_wait3A_80 = arith.constant 0 : i32
      %dma_wait3A_81 = tpu.memref_slice %arg3[%arg0, %run_scoped3A_53, %arg1, %dma_wait3A_79, %dma_wait3A_80] : memref<2x4x16x80x128xi32, #tpu.memory_space<hbm>> -> memref<1x1x1x80x128xi32, #tpu.memory_space<hbm>>
      %dma_wait3A_82 = tpu.memref_squeeze %dma_wait3A_81 : memref<1x1x1x80x128xi32, #tpu.memory_space<hbm>> -> memref<80x128xi32, #tpu.memory_space<hbm>>
      tpu.wait_dma2 semaphore(%run_scoped3A_68 : memref<!tpu.dma_semaphore, #tpu.memory_space<semaphore_mem>>) src(%dma_wait3A_82 : memref<80x128xi32, #tpu.memory_space<hbm>>) dst(%arg7 : memref<80x128xi32, #tpu.memory_space<vmem>>)
      tpu.yield
    }) : () -> ()
    %run_scoped3A_54 = arith.constant 3 : i32
    "tpu.region"() ({
      %run_scoped3A_68 = tpu.sem_alloc : memref<!tpu.dma_semaphore, #tpu.memory_space<semaphore_mem>>
      %dma_start3A = arith.constant 0 : i32
      %dma_start3A_69 = arith.constant 0 : i32
      %dma_start3A_70 = tpu.memref_slice %arg4[%run_scoped3A_54, %arg1, %dma_start3A, %dma_start3A_69] : memref<4x16x80x128xi32, #tpu.memory_space<hbm>> -> memref<1x1x80x128xi32, #tpu.memory_space<hbm>>
      %dma_start3A_71 = tpu.memref_squeeze %dma_start3A_70 : memref<1x1x80x128xi32, #tpu.memory_space<hbm>> -> memref<80x128xi32, #tpu.memory_space<hbm>>
      %dma_start3A_72 = arith.constant 0 : i32
      %dma_start3A_73 = arith.constant 0 : i32
      %dma_start3A_74 = tpu.memref_slice %arg4[%run_scoped3A_54, %arg1, %dma_start3A_72, %dma_start3A_73] : memref<4x16x80x128xi32, #tpu.memory_space<hbm>> -> memref<1x1x80x128xi32, #tpu.memory_space<hbm>>
      %dma_start3A_75 = tpu.memref_squeeze %dma_start3A_74 : memref<1x1x80x128xi32, #tpu.memory_space<hbm>> -> memref<80x128xi32, #tpu.memory_space<hbm>>
      tpu.enqueue_dma source(%dma_start3A_75 : memref<80x128xi32, #tpu.memory_space<hbm>>) target(%arg8 : memref<80x128xi32, #tpu.memory_space<vmem>>) target_semaphore(%run_scoped3A_68 : memref<!tpu.dma_semaphore, #tpu.memory_space<semaphore_mem>>)
      %dma_wait3A = arith.constant 0 : i32
      %dma_wait3A_76 = arith.constant 0 : i32
      %dma_wait3A_77 = tpu.memref_slice %arg4[%run_scoped3A_54, %arg1, %dma_wait3A, %dma_wait3A_76] : memref<4x16x80x128xi32, #tpu.memory_space<hbm>> -> memref<1x1x80x128xi32, #tpu.memory_space<hbm>>
      %dma_wait3A_78 = tpu.memref_squeeze %dma_wait3A_77 : memref<1x1x80x128xi32, #tpu.memory_space<hbm>> -> memref<80x128xi32, #tpu.memory_space<hbm>>
      %dma_wait3A_79 = arith.constant 0 : i32
      %dma_wait3A_80 = arith.constant 0 : i32
      %dma_wait3A_81 = tpu.memref_slice %arg4[%run_scoped3A_54, %arg1, %dma_wait3A_79, %dma_wait3A_80] : memref<4x16x80x128xi32, #tpu.memory_space<hbm>> -> memref<1x1x80x128xi32, #tpu.memory_space<hbm>>
      %dma_wait3A_82 = tpu.memref_squeeze %dma_wait3A_81 : memref<1x1x80x128xi32, #tpu.memory_space<hbm>> -> memref<80x128xi32, #tpu.memory_space<hbm>>
      tpu.wait_dma2 semaphore(%run_scoped3A_68 : memref<!tpu.dma_semaphore, #tpu.memory_space<semaphore_mem>>) src(%dma_wait3A_82 : memref<80x128xi32, #tpu.memory_space<hbm>>) dst(%arg8 : memref<80x128xi32, #tpu.memory_space<vmem>>)
      tpu.yield
    }) : () -> ()
    %scan3A_55 = arith.constant 0 : i32
    %scan3A_56 = arith.constant 0 : i32
    %scan3A_57 = arith.constant 80 : i32
    %scan3A_58 = arith.addi %scan3A_56, %scan3A_57 : i32
    %scan3A_59 = arith.constant 1 : i32
    scf.for %scan3A_68 = %scan3A_56 to %scan3A_58 step %scan3A_59  : i32 {
      "tpu.region"() ({
        %run_scoped3A_69 = tpu.sem_alloc : memref<!tpu.dma_semaphore, #tpu.memory_space<semaphore_mem>>
        %dma_start3A = arith.constant 0 : i32
        %dma_start3A_70 = tpu.memref_slice %arg7[%scan3A_68, %dma_start3A] : memref<80x128xi32, #tpu.memory_space<vmem>> -> memref<1x128xi32, #tpu.memory_space<vmem>>
        %dma_start3A_71 = tpu.memref_squeeze %dma_start3A_70 : memref<1x128xi32, #tpu.memory_space<vmem>> -> memref<128xi32, #tpu.memory_space<vmem>>
        %dma_start3A_72 = arith.constant 0 : i32
        %dma_start3A_73 = arith.constant 0 : i32
        %dma_start3A_74 = tpu.memref_slice %arg2[%dma_start3A_72, %dma_start3A_73] : memref<20000x128xf32, #tpu.memory_space<hbm>> -> memref<20000x128xf32, #tpu.memory_space<hbm>>
        tpu.enqueue_indirect_dma source(%dma_start3A_74 : memref<20000x128xf32, #tpu.memory_space<hbm>>) target(%arg9 : memref<128x128xf32, #tpu.memory_space<vmem>>) offsets(%dma_start3A_71 : memref<128xi32, #tpu.memory_space<vmem>>) semaphore(%run_scoped3A_69 : memref<!tpu.dma_semaphore, #tpu.memory_space<semaphore_mem>>)
        %dma_wait3A = arith.constant 0 : i32
        %dma_wait3A_75 = tpu.memref_slice %arg7[%scan3A_68, %dma_wait3A] : memref<80x128xi32, #tpu.memory_space<vmem>> -> memref<1x128xi32, #tpu.memory_space<vmem>>
        %dma_wait3A_76 = tpu.memref_squeeze %dma_wait3A_75 : memref<1x128xi32, #tpu.memory_space<vmem>> -> memref<128xi32, #tpu.memory_space<vmem>>
        %dma_wait3A_77 = arith.constant 0 : i32
        %dma_wait3A_78 = arith.constant 0 : i32
        %dma_wait3A_79 = tpu.memref_slice %arg2[%dma_wait3A_77, %dma_wait3A_78] : memref<20000x128xf32, #tpu.memory_space<hbm>> -> memref<20000x128xf32, #tpu.memory_space<hbm>>
        tpu.wait_indirect_dma semaphore(%run_scoped3A_69 : memref<!tpu.dma_semaphore, #tpu.memory_space<semaphore_mem>>) src(%dma_wait3A_79 : memref<20000x128xf32, #tpu.memory_space<hbm>>) dst(%arg9 : memref<128x128xf32, #tpu.memory_space<vmem>>)
        tpu.yield
      }) : () -> ()
      "tpu.region"() ({
        %run_scoped3A_69 = tpu.sem_alloc : memref<!tpu.dma_semaphore, #tpu.memory_space<semaphore_mem>>
        %dma_start3A = arith.constant 0 : i32
        %dma_start3A_70 = tpu.memref_slice %arg8[%scan3A_68, %dma_start3A] : memref<80x128xi32, #tpu.memory_space<vmem>> -> memref<1x128xi32, #tpu.memory_space<vmem>>
        %dma_start3A_71 = tpu.memref_squeeze %dma_start3A_70 : memref<1x128xi32, #tpu.memory_space<vmem>> -> memref<128xi32, #tpu.memory_space<vmem>>
        %dma_start3A_72 = arith.constant 0 : i32
        %dma_start3A_73 = arith.constant 0 : i32
        %dma_start3A_74 = tpu.memref_slice %arg10[%dma_start3A_72, %dma_start3A_73] : memref<10240x128xf32, #tpu.memory_space<vmem_shared>> -> memref<10240x128xf32, #tpu.memory_space<vmem_shared>>
        tpu.enqueue_indirect_dma source(%arg9 : memref<128x128xf32, #tpu.memory_space<vmem>>) target(%dma_start3A_74 : memref<10240x128xf32, #tpu.memory_space<vmem_shared>>) offsets(%dma_start3A_71 : memref<128xi32, #tpu.memory_space<vmem>>) semaphore(%run_scoped3A_69 : memref<!tpu.dma_semaphore, #tpu.memory_space<semaphore_mem>>) {add = true}
        %dma_wait3A = arith.constant 0 : i32
        %dma_wait3A_75 = tpu.memref_slice %arg8[%scan3A_68, %dma_wait3A] : memref<80x128xi32, #tpu.memory_space<vmem>> -> memref<1x128xi32, #tpu.memory_space<vmem>>
        %dma_wait3A_76 = tpu.memref_squeeze %dma_wait3A_75 : memref<1x128xi32, #tpu.memory_space<vmem>> -> memref<128xi32, #tpu.memory_space<vmem>>
        %dma_wait3A_77 = arith.constant 0 : i32
        %dma_wait3A_78 = arith.constant 0 : i32
        %dma_wait3A_79 = tpu.memref_slice %arg10[%dma_wait3A_77, %dma_wait3A_78] : memref<10240x128xf32, #tpu.memory_space<vmem_shared>> -> memref<10240x128xf32, #tpu.memory_space<vmem_shared>>
        tpu.wait_indirect_dma semaphore(%run_scoped3A_69 : memref<!tpu.dma_semaphore, #tpu.memory_space<semaphore_mem>>) src(%arg9 : memref<128x128xf32, #tpu.memory_space<vmem>>) dst(%dma_wait3A_79 : memref<10240x128xf32, #tpu.memory_space<vmem_shared>>)
        tpu.yield
      }) : () -> ()
    }
    %scan3A_60 = arith.constant 80 : i32
    %barrier3A_61 = arith.constant 0 : index
    tpu.barrier barrier_id(%barrier3A_61)
    %mul3A_62 = arith.constant 640 : i32
    %mul3A_63 = arith.muli %arg1, %mul3A_62 : i32
    %mul3A_64 = arith.constant 640 : i32
    %mul3A_65 = arith.muli %arg1, %mul3A_64 : i32
    %run_scoped3A_66 = arith.constant 3 : i32
    "tpu.region"() ({
      %run_scoped3A_68 = tpu.sem_alloc : memref<!tpu.dma_semaphore, #tpu.memory_space<semaphore_mem>>
      %dma_start3A = arith.constant 0 : i32
      %dma_start3A_69 = tpu.memref_slice %arg6[%run_scoped3A_66, %arg0, %mul3A_65, %dma_start3A] : memref<4x2x10240x128xf32, #tpu.memory_space<hbm>> -> memref<1x1x640x128xf32, #tpu.memory_space<hbm>>
      %dma_start3A_70 = tpu.memref_squeeze %dma_start3A_69 : memref<1x1x640x128xf32, #tpu.memory_space<hbm>> -> memref<640x128xf32, #tpu.memory_space<hbm>>
      %dma_start3A_71 = arith.constant 0 : i32
      %dma_start3A_72 = tpu.memref_slice %arg10[%mul3A_63, %dma_start3A_71] : memref<10240x128xf32, #tpu.memory_space<vmem_shared>> -> memref<640x128xf32, #tpu.memory_space<vmem_shared>>
      tpu.enqueue_dma source(%dma_start3A_72 : memref<640x128xf32, #tpu.memory_space<vmem_shared>>) target(%dma_start3A_70 : memref<640x128xf32, #tpu.memory_space<hbm>>) target_semaphore(%run_scoped3A_68 : memref<!tpu.dma_semaphore, #tpu.memory_space<semaphore_mem>>)
      %dma_wait3A = arith.constant 0 : i32
      %dma_wait3A_73 = tpu.memref_slice %arg6[%run_scoped3A_66, %arg0, %mul3A_65, %dma_wait3A] : memref<4x2x10240x128xf32, #tpu.memory_space<hbm>> -> memref<1x1x640x128xf32, #tpu.memory_space<hbm>>
      %dma_wait3A_74 = tpu.memref_squeeze %dma_wait3A_73 : memref<1x1x640x128xf32, #tpu.memory_space<hbm>> -> memref<640x128xf32, #tpu.memory_space<hbm>>
      %dma_wait3A_75 = arith.constant 0 : i32
      %dma_wait3A_76 = tpu.memref_slice %arg10[%mul3A_63, %dma_wait3A_75] : memref<10240x128xf32, #tpu.memory_space<vmem_shared>> -> memref<640x128xf32, #tpu.memory_space<vmem_shared>>
      tpu.wait_dma2 semaphore(%run_scoped3A_68 : memref<!tpu.dma_semaphore, #tpu.memory_space<semaphore_mem>>) src(%dma_wait3A_76 : memref<640x128xf32, #tpu.memory_space<vmem_shared>>) dst(%dma_wait3A_74 : memref<640x128xf32, #tpu.memory_space<hbm>>)
      tpu.yield
    }) : () -> ()
    %barrier3A_67 = arith.constant 0 : index
    tpu.barrier barrier_id(%barrier3A_67)
    return
  }
}

module attributes {stable_mosaic.version = 14 : i64} {
  func.func @_tc_gcn_body(%arg0: i32, %arg1: i32, %arg2: memref<1x1x512x128xf32, #tpu.memory_space<vmem>>, %arg3: memref<1x1x512x128xf32, #tpu.memory_space<vmem>>, %arg4: memref<128x512xf32, #tpu.memory_space<vmem>>, %arg5: memref<128x512xf32, #tpu.memory_space<vmem>>, %arg6: memref<512x128xf32, #tpu.memory_space<vmem>>, %arg7: memref<1x512x128xf32, #tpu.memory_space<vmem>>) attributes {dimension_semantics = [#tpu.dimension_semantics<arbitrary>, #tpu.dimension_semantics<arbitrary>], iteration_bounds = array<i64: 4, 20>, scalar_prefetch = 0 : i64, scratch_operands = 0 : i64, tpu.core_type = #tpu.core_type<tc>, window_params = [{transform_indices = @transform_0, window_bounds = array<i64: 1, 1, 512, 128>}, {transform_indices = @transform_1, window_bounds = array<i64: 1, 1, 512, 128>}, {pipeline_mode = #tpu.pipeline_mode<synchronous>, transform_indices = @transform_2, window_bounds = array<i64: 128, 512>}, {pipeline_mode = #tpu.pipeline_mode<synchronous>, transform_indices = @transform_3, window_bounds = array<i64: 128, 512>}, {pipeline_mode = #tpu.pipeline_mode<synchronous>, transform_indices = @transform_4, window_bounds = array<i64: 512, 128>}, {transform_indices = @transform_5, window_bounds = array<i64: 1, 512, 128>}]} {
    %get3A = arith.constant 0 : index
    %get3A_0 = arith.constant 0 : index
    %get3A_1 = arith.constant 0 : index
    %get3A_2 = arith.constant 0 : index
    %get3A_3 = vector.load %arg2[%get3A, %get3A_0, %get3A_1, %get3A_2] : memref<1x1x512x128xf32, #tpu.memory_space<vmem>>, vector<1x1x512x128xf32>
    %get3A_4 = vector.shape_cast %get3A_3 : vector<1x1x512x128xf32> to vector<512x128xf32>
    %get3A_5 = arith.constant 0 : index
    %get3A_6 = arith.constant 0 : index
    %get3A_7 = arith.constant 0 : index
    %get3A_8 = arith.constant 0 : index
    %get3A_9 = vector.load %arg3[%get3A_5, %get3A_6, %get3A_7, %get3A_8] : memref<1x1x512x128xf32, #tpu.memory_space<vmem>>, vector<1x1x512x128xf32>
    %get3A_10 = vector.shape_cast %get3A_9 : vector<1x1x512x128xf32> to vector<512x128xf32>
    %get3A_11 = arith.constant 0 : index
    %get3A_12 = arith.constant 0 : index
    %get3A_13 = vector.load %arg4[%get3A_11, %get3A_12] : memref<128x512xf32, #tpu.memory_space<vmem>>, vector<128x512xf32>
    %dot_general3A = arith.constant dense<0.000000e+00> : vector<512x512xf32>
    %dot_general3A_14 = tpu.matmul %get3A_4, %get3A_13, %dot_general3A {dimension_numbers = #tpu.dot_dimension_numbers<[1], [0], [0], [1], [0, 0, 1, 1], [], []>, transpose_lhs_hint = false} : vector<512x128xf32>, vector<128x512xf32>, vector<512x512xf32> -> vector<512x512xf32>
    %get3A_15 = arith.constant 0 : index
    %get3A_16 = arith.constant 0 : index
    %get3A_17 = vector.load %arg5[%get3A_15, %get3A_16] : memref<128x512xf32, #tpu.memory_space<vmem>>, vector<128x512xf32>
    %dot_general3A_18 = arith.constant dense<0.000000e+00> : vector<512x512xf32>
    %dot_general3A_19 = tpu.matmul %get3A_10, %get3A_17, %dot_general3A_18 {dimension_numbers = #tpu.dot_dimension_numbers<[1], [0], [0], [1], [0, 0, 1, 1], [], []>, transpose_lhs_hint = false} : vector<512x128xf32>, vector<128x512xf32>, vector<512x512xf32> -> vector<512x512xf32>
    %add3A = arith.addf %dot_general3A_14, %dot_general3A_19 : vector<512x512xf32>
    %max3A = arith.constant 0.000000e+00 : f32
    %max3A_20 = vector.broadcast %max3A : f32 to vector<512x512xf32>
    %max3A_21 = arith.maximumf %add3A, %max3A_20 : vector<512x512xf32>
    %mul3A = arith.mulf %max3A_21, %max3A_21 : vector<512x512xf32>
    %reduce_sum3A = arith.constant dense<0.000000e+00> : vector<512xf32>
    %reduce_sum3A_22 = vector.multi_reduction <add>, %mul3A, %reduce_sum3A [1] : vector<512x512xf32> to vector<512xf32>
    %broadcast_in_dim3A = vector.shape_cast %reduce_sum3A_22 : vector<512xf32> to vector<512x1xf32>
    %sqrt3A = math.sqrt %broadcast_in_dim3A : vector<512x1xf32>
    %add3A_23 = arith.constant 9.99999996E-13 : f32
    %add3A_24 = vector.broadcast %add3A_23 : f32 to vector<512x1xf32>
    %add3A_25 = arith.addf %sqrt3A, %add3A_24 : vector<512x1xf32>
    %div3A = vector.broadcast %add3A_25 : vector<512x1xf32> to vector<512x512xf32>
    %div3A_26 = arith.divf %max3A_21, %div3A : vector<512x512xf32>
    %get3A_27 = arith.constant 0 : index
    %get3A_28 = arith.constant 0 : index
    %get3A_29 = vector.load %arg6[%get3A_27, %get3A_28] : memref<512x128xf32, #tpu.memory_space<vmem>>, vector<512x128xf32>
    %dot_general3A_30 = arith.constant dense<0.000000e+00> : vector<512x128xf32>
    %dot_general3A_31 = tpu.matmul %div3A_26, %get3A_29, %dot_general3A_30 {dimension_numbers = #tpu.dot_dimension_numbers<[1], [0], [0], [1], [0, 0, 1, 1], [], []>, transpose_lhs_hint = false} : vector<512x512xf32>, vector<512x128xf32>, vector<512x128xf32> -> vector<512x128xf32>
    %swap3A = arith.constant 0 : index
    %swap3A_32 = arith.constant 0 : index
    %swap3A_33 = arith.constant 0 : index
    %swap3A_34 = vector.load %arg7[%swap3A, %swap3A_32, %swap3A_33] : memref<1x512x128xf32, #tpu.memory_space<vmem>>, vector<1x512x128xf32>
    %swap3A_35 = vector.shape_cast %swap3A_34 : vector<1x512x128xf32> to vector<512x128xf32>
    %swap3A_36 = vector.shape_cast %dot_general3A_31 : vector<512x128xf32> to vector<1x512x128xf32>
    tpu.vector_store %arg7[%swap3A, %swap3A_32, %swap3A_33], %swap3A_36 {strides = array<i32>} : memref<1x512x128xf32, #tpu.memory_space<vmem>>, vector<1x512x128xf32>,
    return
  }
  func.func @transform_0(%arg0: i32, %arg1: i32) -> (i32, i32, i32, i32) {
    %c0_i32 = arith.constant 0 : i32
    %c0_i32_0 = arith.constant 0 : i32
    %c0_i32_1 = arith.constant 0 : i32
    return %arg0, %c0_i32, %arg1, %c0_i32_0 : i32, i32, i32, i32
  }
  func.func @transform_1(%arg0: i32, %arg1: i32) -> (i32, i32, i32, i32) {
    %c1_i32 = arith.constant 1 : i32
    %c0_i32 = arith.constant 0 : i32
    %c0_i32_0 = arith.constant 0 : i32
    return %arg0, %c1_i32, %arg1, %c0_i32 : i32, i32, i32, i32
  }
  func.func @transform_2(%arg0: i32, %arg1: i32) -> (i32, i32) {
    %c0_i32 = arith.constant 0 : i32
    %c0_i32_0 = arith.constant 0 : i32
    %c0_i32_1 = arith.constant 0 : i32
    return %c0_i32, %c0_i32_0 : i32, i32
  }
  func.func @transform_3(%arg0: i32, %arg1: i32) -> (i32, i32) {
    %c0_i32 = arith.constant 0 : i32
    %c0_i32_0 = arith.constant 0 : i32
    %c0_i32_1 = arith.constant 0 : i32
    return %c0_i32, %c0_i32_0 : i32, i32
  }
  func.func @transform_4(%arg0: i32, %arg1: i32) -> (i32, i32) {
    %c0_i32 = arith.constant 0 : i32
    %c0_i32_0 = arith.constant 0 : i32
    %c0_i32_1 = arith.constant 0 : i32
    return %c0_i32, %c0_i32_0 : i32, i32
  }
  func.func @transform_5(%arg0: i32, %arg1: i32) -> (i32, i32, i32) {
    %c0_i32 = arith.constant 0 : i32
    %c0_i32_0 = arith.constant 0 : i32
    return %arg0, %arg1, %c0_i32 : i32, i32, i32
  }
}

module attributes {stable_mosaic.version = 14 : i64} {
  func.func @_tc_att_body(%arg0: i32, %arg1: memref<4x512x128xf32, #tpu.memory_space<vmem>>, %arg2: memref<4x512x128xf32, #tpu.memory_space<vmem>>, %arg3: memref<4x4xf32, #tpu.memory_space<smem>>, %arg4: memref<1x1xf32, #tpu.memory_space<smem>>) attributes {dimension_semantics = [#tpu.dimension_semantics<arbitrary>], iteration_bounds = array<i64: 20>, scalar_prefetch = 0 : i64, scratch_operands = 0 : i64, tpu.core_type = #tpu.core_type<tc>, window_params = [{transform_indices = @transform_0, window_bounds = array<i64: 4, 512, 128>}, {transform_indices = @transform_1, window_bounds = array<i64: 4, 512, 128>}, {transform_indices = @transform_2, window_bounds = array<i64: 4, 4>}, {transform_indices = @transform_3, window_bounds = array<i64: 1, 1>}]} {
    %eq3A = arith.constant 0 : i32
    %eq3A_0 = arith.cmpi eq, %arg0, %eq3A : i32
    %convert_element_type3A = arith.extui %eq3A_0 : i1 to i32
    %cond3A = arith.constant 0 : i32
    %cond3A_1 = arith.cmpi ne, %convert_element_type3A, %cond3A : i32
    scf.if %cond3A_1 {
      %swap3A_326 = arith.constant 0.000000e+00 : f32
      %swap3A_327 = arith.constant 0 : index
      %swap3A_328 = arith.constant 0 : index
      %swap3A_329 = memref.load %arg3[%swap3A_327, %swap3A_328] : memref<4x4xf32, #tpu.memory_space<smem>>
      memref.store %swap3A_326, %arg3[%swap3A_327, %swap3A_328] : memref<4x4xf32, #tpu.memory_space<smem>>
      %swap3A_330 = arith.constant 0.000000e+00 : f32
      %swap3A_331 = arith.constant 0 : index
      %swap3A_332 = arith.constant 1 : index
      %swap3A_333 = memref.load %arg3[%swap3A_331, %swap3A_332] : memref<4x4xf32, #tpu.memory_space<smem>>
      memref.store %swap3A_330, %arg3[%swap3A_331, %swap3A_332] : memref<4x4xf32, #tpu.memory_space<smem>>
      %swap3A_334 = arith.constant 0.000000e+00 : f32
      %swap3A_335 = arith.constant 0 : index
      %swap3A_336 = arith.constant 2 : index
      %swap3A_337 = memref.load %arg3[%swap3A_335, %swap3A_336] : memref<4x4xf32, #tpu.memory_space<smem>>
      memref.store %swap3A_334, %arg3[%swap3A_335, %swap3A_336] : memref<4x4xf32, #tpu.memory_space<smem>>
      %swap3A_338 = arith.constant 0.000000e+00 : f32
      %swap3A_339 = arith.constant 0 : index
      %swap3A_340 = arith.constant 3 : index
      %swap3A_341 = memref.load %arg3[%swap3A_339, %swap3A_340] : memref<4x4xf32, #tpu.memory_space<smem>>
      memref.store %swap3A_338, %arg3[%swap3A_339, %swap3A_340] : memref<4x4xf32, #tpu.memory_space<smem>>
      %swap3A_342 = arith.constant 0.000000e+00 : f32
      %swap3A_343 = arith.constant 1 : index
      %swap3A_344 = arith.constant 0 : index
      %swap3A_345 = memref.load %arg3[%swap3A_343, %swap3A_344] : memref<4x4xf32, #tpu.memory_space<smem>>
      memref.store %swap3A_342, %arg3[%swap3A_343, %swap3A_344] : memref<4x4xf32, #tpu.memory_space<smem>>
      %swap3A_346 = arith.constant 0.000000e+00 : f32
      %swap3A_347 = arith.constant 1 : index
      %swap3A_348 = arith.constant 1 : index
      %swap3A_349 = memref.load %arg3[%swap3A_347, %swap3A_348] : memref<4x4xf32, #tpu.memory_space<smem>>
      memref.store %swap3A_346, %arg3[%swap3A_347, %swap3A_348] : memref<4x4xf32, #tpu.memory_space<smem>>
      %swap3A_350 = arith.constant 0.000000e+00 : f32
      %swap3A_351 = arith.constant 1 : index
      %swap3A_352 = arith.constant 2 : index
      %swap3A_353 = memref.load %arg3[%swap3A_351, %swap3A_352] : memref<4x4xf32, #tpu.memory_space<smem>>
      memref.store %swap3A_350, %arg3[%swap3A_351, %swap3A_352] : memref<4x4xf32, #tpu.memory_space<smem>>
      %swap3A_354 = arith.constant 0.000000e+00 : f32
      %swap3A_355 = arith.constant 1 : index
      %swap3A_356 = arith.constant 3 : index
      %swap3A_357 = memref.load %arg3[%swap3A_355, %swap3A_356] : memref<4x4xf32, #tpu.memory_space<smem>>
      memref.store %swap3A_354, %arg3[%swap3A_355, %swap3A_356] : memref<4x4xf32, #tpu.memory_space<smem>>
      %swap3A_358 = arith.constant 0.000000e+00 : f32
      %swap3A_359 = arith.constant 2 : index
      %swap3A_360 = arith.constant 0 : index
      %swap3A_361 = memref.load %arg3[%swap3A_359, %swap3A_360] : memref<4x4xf32, #tpu.memory_space<smem>>
      memref.store %swap3A_358, %arg3[%swap3A_359, %swap3A_360] : memref<4x4xf32, #tpu.memory_space<smem>>
      %swap3A_362 = arith.constant 0.000000e+00 : f32
      %swap3A_363 = arith.constant 2 : index
      %swap3A_364 = arith.constant 1 : index
      %swap3A_365 = memref.load %arg3[%swap3A_363, %swap3A_364] : memref<4x4xf32, #tpu.memory_space<smem>>
      memref.store %swap3A_362, %arg3[%swap3A_363, %swap3A_364] : memref<4x4xf32, #tpu.memory_space<smem>>
      %swap3A_366 = arith.constant 0.000000e+00 : f32
      %swap3A_367 = arith.constant 2 : index
      %swap3A_368 = arith.constant 2 : index
      %swap3A_369 = memref.load %arg3[%swap3A_367, %swap3A_368] : memref<4x4xf32, #tpu.memory_space<smem>>
      memref.store %swap3A_366, %arg3[%swap3A_367, %swap3A_368] : memref<4x4xf32, #tpu.memory_space<smem>>
      %swap3A_370 = arith.constant 0.000000e+00 : f32
      %swap3A_371 = arith.constant 2 : index
      %swap3A_372 = arith.constant 3 : index
      %swap3A_373 = memref.load %arg3[%swap3A_371, %swap3A_372] : memref<4x4xf32, #tpu.memory_space<smem>>
      memref.store %swap3A_370, %arg3[%swap3A_371, %swap3A_372] : memref<4x4xf32, #tpu.memory_space<smem>>
      %swap3A_374 = arith.constant 0.000000e+00 : f32
      %swap3A_375 = arith.constant 3 : index
      %swap3A_376 = arith.constant 0 : index
      %swap3A_377 = memref.load %arg3[%swap3A_375, %swap3A_376] : memref<4x4xf32, #tpu.memory_space<smem>>
      memref.store %swap3A_374, %arg3[%swap3A_375, %swap3A_376] : memref<4x4xf32, #tpu.memory_space<smem>>
      %swap3A_378 = arith.constant 0.000000e+00 : f32
      %swap3A_379 = arith.constant 3 : index
      %swap3A_380 = arith.constant 1 : index
      %swap3A_381 = memref.load %arg3[%swap3A_379, %swap3A_380] : memref<4x4xf32, #tpu.memory_space<smem>>
      memref.store %swap3A_378, %arg3[%swap3A_379, %swap3A_380] : memref<4x4xf32, #tpu.memory_space<smem>>
      %swap3A_382 = arith.constant 0.000000e+00 : f32
      %swap3A_383 = arith.constant 3 : index
      %swap3A_384 = arith.constant 2 : index
      %swap3A_385 = memref.load %arg3[%swap3A_383, %swap3A_384] : memref<4x4xf32, #tpu.memory_space<smem>>
      memref.store %swap3A_382, %arg3[%swap3A_383, %swap3A_384] : memref<4x4xf32, #tpu.memory_space<smem>>
      %swap3A_386 = arith.constant 0.000000e+00 : f32
      %swap3A_387 = arith.constant 3 : index
      %swap3A_388 = arith.constant 3 : index
      %swap3A_389 = memref.load %arg3[%swap3A_387, %swap3A_388] : memref<4x4xf32, #tpu.memory_space<smem>>
      memref.store %swap3A_386, %arg3[%swap3A_387, %swap3A_388] : memref<4x4xf32, #tpu.memory_space<smem>>
      %swap3A_390 = arith.constant 0.000000e+00 : f32
      %swap3A_391 = arith.constant 0 : index
      %swap3A_392 = arith.constant 0 : index
      %swap3A_393 = memref.load %arg4[%swap3A_391, %swap3A_392] : memref<1x1xf32, #tpu.memory_space<smem>>
      memref.store %swap3A_390, %arg4[%swap3A_391, %swap3A_392] : memref<1x1xf32, #tpu.memory_space<smem>>
    } else {
    }
    %get3A = arith.constant 0 : index
    %get3A_2 = arith.constant 0 : index
    %get3A_3 = memref.load %arg4[%get3A, %get3A_2] : memref<1x1xf32, #tpu.memory_space<smem>>
    %get3A_4 = arith.constant 0 : index
    %get3A_5 = arith.constant 0 : index
    %get3A_6 = arith.constant 0 : index
    %get3A_7 = vector.load %arg2[%get3A_4, %get3A_5, %get3A_6] : memref<4x512x128xf32, #tpu.memory_space<vmem>>, vector<4x512x128xf32>
    %get3A_8 = arith.constant 0 : index
    %get3A_9 = arith.constant 0 : index
    %get3A_10 = arith.constant 0 : index
    %get3A_11 = vector.load %arg2[%get3A_8, %get3A_9, %get3A_10] : memref<4x512x128xf32, #tpu.memory_space<vmem>>, vector<4x512x128xf32>
    %mul3A = arith.mulf %get3A_7, %get3A_11 : vector<4x512x128xf32>
    %reduce_sum3A = vector.shape_cast %mul3A : vector<4x512x128xf32> to vector<1x4x512x128xf32>
    %reduce_sum3A_12 = arith.constant dense<0.000000e+00> : vector<1xf32>
    %reduce_sum3A_13 = vector.multi_reduction <add>, %reduce_sum3A, %reduce_sum3A_12 [1, 2, 3] : vector<1x4x512x128xf32> to vector<1xf32>
    %reduce_sum3A_14 = vector.shape_cast %reduce_sum3A_13 : vector<1xf32> to vector<1x1x1x1xf32>
    %reduce_sum3A_15 = vector.extract %reduce_sum3A_14[0, 0, 0, 0] : f32 from vector<1x1x1x1xf32>
    %add3A = arith.addf %get3A_3, %reduce_sum3A_15 : f32
    %swap3A = arith.constant 0 : index
    %swap3A_16 = arith.constant 0 : index
    %swap3A_17 = memref.load %arg4[%swap3A, %swap3A_16] : memref<1x1xf32, #tpu.memory_space<smem>>
    memref.store %add3A, %arg4[%swap3A, %swap3A_16] : memref<1x1xf32, #tpu.memory_space<smem>>
    %get3A_18 = arith.constant 0 : index
    %get3A_19 = arith.constant 0 : index
    %get3A_20 = arith.constant 0 : index
    %get3A_21 = vector.load %arg1[%get3A_18, %get3A_19, %get3A_20] : memref<4x512x128xf32, #tpu.memory_space<vmem>>, vector<1x512x128xf32>
    %get3A_22 = vector.shape_cast %get3A_21 : vector<1x512x128xf32> to vector<512x128xf32>
    %get3A_23 = arith.constant 0 : index
    %get3A_24 = arith.constant 0 : index
    %get3A_25 = memref.load %arg3[%get3A_23, %get3A_24] : memref<4x4xf32, #tpu.memory_space<smem>>
    %get3A_26 = arith.constant 0 : index
    %get3A_27 = arith.constant 0 : index
    %get3A_28 = arith.constant 0 : index
    %get3A_29 = vector.load %arg2[%get3A_26, %get3A_27, %get3A_28] : memref<4x512x128xf32, #tpu.memory_space<vmem>>, vector<1x512x128xf32>
    %get3A_30 = vector.shape_cast %get3A_29 : vector<1x512x128xf32> to vector<512x128xf32>
    %mul3A_31 = arith.mulf %get3A_22, %get3A_30 : vector<512x128xf32>
    %reduce_sum3A_32 = vector.shape_cast %mul3A_31 : vector<512x128xf32> to vector<1x512x128xf32>
    %reduce_sum3A_33 = arith.constant dense<0.000000e+00> : vector<1xf32>
    %reduce_sum3A_34 = vector.multi_reduction <add>, %reduce_sum3A_32, %reduce_sum3A_33 [1, 2] : vector<1x512x128xf32> to vector<1xf32>
    %reduce_sum3A_35 = vector.shape_cast %reduce_sum3A_34 : vector<1xf32> to vector<1x1x1xf32>
    %reduce_sum3A_36 = vector.extract %reduce_sum3A_35[0, 0, 0] : f32 from vector<1x1x1xf32>
    %add3A_37 = arith.addf %get3A_25, %reduce_sum3A_36 : f32
    %swap3A_38 = arith.constant 0 : index
    %swap3A_39 = arith.constant 0 : index
    %swap3A_40 = memref.load %arg3[%swap3A_38, %swap3A_39] : memref<4x4xf32, #tpu.memory_space<smem>>
    memref.store %add3A_37, %arg3[%swap3A_38, %swap3A_39] : memref<4x4xf32, #tpu.memory_space<smem>>
    %get3A_41 = arith.constant 0 : index
    %get3A_42 = arith.constant 1 : index
    %get3A_43 = memref.load %arg3[%get3A_41, %get3A_42] : memref<4x4xf32, #tpu.memory_space<smem>>
    %get3A_44 = arith.constant 1 : index
    %get3A_45 = arith.constant 0 : index
    %get3A_46 = arith.constant 0 : index
    %get3A_47 = vector.load %arg2[%get3A_44, %get3A_45, %get3A_46] : memref<4x512x128xf32, #tpu.memory_space<vmem>>, vector<1x512x128xf32>
    %get3A_48 = vector.shape_cast %get3A_47 : vector<1x512x128xf32> to vector<512x128xf32>
    %mul3A_49 = arith.mulf %get3A_22, %get3A_48 : vector<512x128xf32>
    %reduce_sum3A_50 = vector.shape_cast %mul3A_49 : vector<512x128xf32> to vector<1x512x128xf32>
    %reduce_sum3A_51 = arith.constant dense<0.000000e+00> : vector<1xf32>
    %reduce_sum3A_52 = vector.multi_reduction <add>, %reduce_sum3A_50, %reduce_sum3A_51 [1, 2] : vector<1x512x128xf32> to vector<1xf32>
    %reduce_sum3A_53 = vector.shape_cast %reduce_sum3A_52 : vector<1xf32> to vector<1x1x1xf32>
    %reduce_sum3A_54 = vector.extract %reduce_sum3A_53[0, 0, 0] : f32 from vector<1x1x1xf32>
    %add3A_55 = arith.addf %get3A_43, %reduce_sum3A_54 : f32
    %swap3A_56 = arith.constant 0 : index
    %swap3A_57 = arith.constant 1 : index
    %swap3A_58 = memref.load %arg3[%swap3A_56, %swap3A_57] : memref<4x4xf32, #tpu.memory_space<smem>>
    memref.store %add3A_55, %arg3[%swap3A_56, %swap3A_57] : memref<4x4xf32, #tpu.memory_space<smem>>
    %get3A_59 = arith.constant 0 : index
    %get3A_60 = arith.constant 2 : index
    %get3A_61 = memref.load %arg3[%get3A_59, %get3A_60] : memref<4x4xf32, #tpu.memory_space<smem>>
    %get3A_62 = arith.constant 2 : index
    %get3A_63 = arith.constant 0 : index
    %get3A_64 = arith.constant 0 : index
    %get3A_65 = vector.load %arg2[%get3A_62, %get3A_63, %get3A_64] : memref<4x512x128xf32, #tpu.memory_space<vmem>>, vector<1x512x128xf32>
    %get3A_66 = vector.shape_cast %get3A_65 : vector<1x512x128xf32> to vector<512x128xf32>
    %mul3A_67 = arith.mulf %get3A_22, %get3A_66 : vector<512x128xf32>
    %reduce_sum3A_68 = vector.shape_cast %mul3A_67 : vector<512x128xf32> to vector<1x512x128xf32>
    %reduce_sum3A_69 = arith.constant dense<0.000000e+00> : vector<1xf32>
    %reduce_sum3A_70 = vector.multi_reduction <add>, %reduce_sum3A_68, %reduce_sum3A_69 [1, 2] : vector<1x512x128xf32> to vector<1xf32>
    %reduce_sum3A_71 = vector.shape_cast %reduce_sum3A_70 : vector<1xf32> to vector<1x1x1xf32>
    %reduce_sum3A_72 = vector.extract %reduce_sum3A_71[0, 0, 0] : f32 from vector<1x1x1xf32>
    %add3A_73 = arith.addf %get3A_61, %reduce_sum3A_72 : f32
    %swap3A_74 = arith.constant 0 : index
    %swap3A_75 = arith.constant 2 : index
    %swap3A_76 = memref.load %arg3[%swap3A_74, %swap3A_75] : memref<4x4xf32, #tpu.memory_space<smem>>
    memref.store %add3A_73, %arg3[%swap3A_74, %swap3A_75] : memref<4x4xf32, #tpu.memory_space<smem>>
    %get3A_77 = arith.constant 0 : index
    %get3A_78 = arith.constant 3 : index
    %get3A_79 = memref.load %arg3[%get3A_77, %get3A_78] : memref<4x4xf32, #tpu.memory_space<smem>>
    %get3A_80 = arith.constant 3 : index
    %get3A_81 = arith.constant 0 : index
    %get3A_82 = arith.constant 0 : index
    %get3A_83 = vector.load %arg2[%get3A_80, %get3A_81, %get3A_82] : memref<4x512x128xf32, #tpu.memory_space<vmem>>, vector<1x512x128xf32>
    %get3A_84 = vector.shape_cast %get3A_83 : vector<1x512x128xf32> to vector<512x128xf32>
    %mul3A_85 = arith.mulf %get3A_22, %get3A_84 : vector<512x128xf32>
    %reduce_sum3A_86 = vector.shape_cast %mul3A_85 : vector<512x128xf32> to vector<1x512x128xf32>
    %reduce_sum3A_87 = arith.constant dense<0.000000e+00> : vector<1xf32>
    %reduce_sum3A_88 = vector.multi_reduction <add>, %reduce_sum3A_86, %reduce_sum3A_87 [1, 2] : vector<1x512x128xf32> to vector<1xf32>
    %reduce_sum3A_89 = vector.shape_cast %reduce_sum3A_88 : vector<1xf32> to vector<1x1x1xf32>
    %reduce_sum3A_90 = vector.extract %reduce_sum3A_89[0, 0, 0] : f32 from vector<1x1x1xf32>
    %add3A_91 = arith.addf %get3A_79, %reduce_sum3A_90 : f32
    %swap3A_92 = arith.constant 0 : index
    %swap3A_93 = arith.constant 3 : index
    %swap3A_94 = memref.load %arg3[%swap3A_92, %swap3A_93] : memref<4x4xf32, #tpu.memory_space<smem>>
    memref.store %add3A_91, %arg3[%swap3A_92, %swap3A_93] : memref<4x4xf32, #tpu.memory_space<smem>>
    %get3A_95 = arith.constant 1 : index
    %get3A_96 = arith.constant 0 : index
    %get3A_97 = arith.constant 0 : index
    %get3A_98 = vector.load %arg1[%get3A_95, %get3A_96, %get3A_97] : memref<4x512x128xf32, #tpu.memory_space<vmem>>, vector<1x512x128xf32>
    %get3A_99 = vector.shape_cast %get3A_98 : vector<1x512x128xf32> to vector<512x128xf32>
    %get3A_100 = arith.constant 1 : index
    %get3A_101 = arith.constant 0 : index
    %get3A_102 = memref.load %arg3[%get3A_100, %get3A_101] : memref<4x4xf32, #tpu.memory_space<smem>>
    %get3A_103 = arith.constant 0 : index
    %get3A_104 = arith.constant 0 : index
    %get3A_105 = arith.constant 0 : index
    %get3A_106 = vector.load %arg2[%get3A_103, %get3A_104, %get3A_105] : memref<4x512x128xf32, #tpu.memory_space<vmem>>, vector<1x512x128xf32>
    %get3A_107 = vector.shape_cast %get3A_106 : vector<1x512x128xf32> to vector<512x128xf32>
    %mul3A_108 = arith.mulf %get3A_99, %get3A_107 : vector<512x128xf32>
    %reduce_sum3A_109 = vector.shape_cast %mul3A_108 : vector<512x128xf32> to vector<1x512x128xf32>
    %reduce_sum3A_110 = arith.constant dense<0.000000e+00> : vector<1xf32>
    %reduce_sum3A_111 = vector.multi_reduction <add>, %reduce_sum3A_109, %reduce_sum3A_110 [1, 2] : vector<1x512x128xf32> to vector<1xf32>
    %reduce_sum3A_112 = vector.shape_cast %reduce_sum3A_111 : vector<1xf32> to vector<1x1x1xf32>
    %reduce_sum3A_113 = vector.extract %reduce_sum3A_112[0, 0, 0] : f32 from vector<1x1x1xf32>
    %add3A_114 = arith.addf %get3A_102, %reduce_sum3A_113 : f32
    %swap3A_115 = arith.constant 1 : index
    %swap3A_116 = arith.constant 0 : index
    %swap3A_117 = memref.load %arg3[%swap3A_115, %swap3A_116] : memref<4x4xf32, #tpu.memory_space<smem>>
    memref.store %add3A_114, %arg3[%swap3A_115, %swap3A_116] : memref<4x4xf32, #tpu.memory_space<smem>>
    %get3A_118 = arith.constant 1 : index
    %get3A_119 = arith.constant 1 : index
    %get3A_120 = memref.load %arg3[%get3A_118, %get3A_119] : memref<4x4xf32, #tpu.memory_space<smem>>
    %get3A_121 = arith.constant 1 : index
    %get3A_122 = arith.constant 0 : index
    %get3A_123 = arith.constant 0 : index
    %get3A_124 = vector.load %arg2[%get3A_121, %get3A_122, %get3A_123] : memref<4x512x128xf32, #tpu.memory_space<vmem>>, vector<1x512x128xf32>
    %get3A_125 = vector.shape_cast %get3A_124 : vector<1x512x128xf32> to vector<512x128xf32>
    %mul3A_126 = arith.mulf %get3A_99, %get3A_125 : vector<512x128xf32>
    %reduce_sum3A_127 = vector.shape_cast %mul3A_126 : vector<512x128xf32> to vector<1x512x128xf32>
    %reduce_sum3A_128 = arith.constant dense<0.000000e+00> : vector<1xf32>
    %reduce_sum3A_129 = vector.multi_reduction <add>, %reduce_sum3A_127, %reduce_sum3A_128 [1, 2] : vector<1x512x128xf32> to vector<1xf32>
    %reduce_sum3A_130 = vector.shape_cast %reduce_sum3A_129 : vector<1xf32> to vector<1x1x1xf32>
    %reduce_sum3A_131 = vector.extract %reduce_sum3A_130[0, 0, 0] : f32 from vector<1x1x1xf32>
    %add3A_132 = arith.addf %get3A_120, %reduce_sum3A_131 : f32
    %swap3A_133 = arith.constant 1 : index
    %swap3A_134 = arith.constant 1 : index
    %swap3A_135 = memref.load %arg3[%swap3A_133, %swap3A_134] : memref<4x4xf32, #tpu.memory_space<smem>>
    memref.store %add3A_132, %arg3[%swap3A_133, %swap3A_134] : memref<4x4xf32, #tpu.memory_space<smem>>
    %get3A_136 = arith.constant 1 : index
    %get3A_137 = arith.constant 2 : index
    %get3A_138 = memref.load %arg3[%get3A_136, %get3A_137] : memref<4x4xf32, #tpu.memory_space<smem>>
    %get3A_139 = arith.constant 2 : index
    %get3A_140 = arith.constant 0 : index
    %get3A_141 = arith.constant 0 : index
    %get3A_142 = vector.load %arg2[%get3A_139, %get3A_140, %get3A_141] : memref<4x512x128xf32, #tpu.memory_space<vmem>>, vector<1x512x128xf32>
    %get3A_143 = vector.shape_cast %get3A_142 : vector<1x512x128xf32> to vector<512x128xf32>
    %mul3A_144 = arith.mulf %get3A_99, %get3A_143 : vector<512x128xf32>
    %reduce_sum3A_145 = vector.shape_cast %mul3A_144 : vector<512x128xf32> to vector<1x512x128xf32>
    %reduce_sum3A_146 = arith.constant dense<0.000000e+00> : vector<1xf32>
    %reduce_sum3A_147 = vector.multi_reduction <add>, %reduce_sum3A_145, %reduce_sum3A_146 [1, 2] : vector<1x512x128xf32> to vector<1xf32>
    %reduce_sum3A_148 = vector.shape_cast %reduce_sum3A_147 : vector<1xf32> to vector<1x1x1xf32>
    %reduce_sum3A_149 = vector.extract %reduce_sum3A_148[0, 0, 0] : f32 from vector<1x1x1xf32>
    %add3A_150 = arith.addf %get3A_138, %reduce_sum3A_149 : f32
    %swap3A_151 = arith.constant 1 : index
    %swap3A_152 = arith.constant 2 : index
    %swap3A_153 = memref.load %arg3[%swap3A_151, %swap3A_152] : memref<4x4xf32, #tpu.memory_space<smem>>
    memref.store %add3A_150, %arg3[%swap3A_151, %swap3A_152] : memref<4x4xf32, #tpu.memory_space<smem>>
    %get3A_154 = arith.constant 1 : index
    %get3A_155 = arith.constant 3 : index
    %get3A_156 = memref.load %arg3[%get3A_154, %get3A_155] : memref<4x4xf32, #tpu.memory_space<smem>>
    %get3A_157 = arith.constant 3 : index
    %get3A_158 = arith.constant 0 : index
    %get3A_159 = arith.constant 0 : index
    %get3A_160 = vector.load %arg2[%get3A_157, %get3A_158, %get3A_159] : memref<4x512x128xf32, #tpu.memory_space<vmem>>, vector<1x512x128xf32>
    %get3A_161 = vector.shape_cast %get3A_160 : vector<1x512x128xf32> to vector<512x128xf32>
    %mul3A_162 = arith.mulf %get3A_99, %get3A_161 : vector<512x128xf32>
    %reduce_sum3A_163 = vector.shape_cast %mul3A_162 : vector<512x128xf32> to vector<1x512x128xf32>
    %reduce_sum3A_164 = arith.constant dense<0.000000e+00> : vector<1xf32>
    %reduce_sum3A_165 = vector.multi_reduction <add>, %reduce_sum3A_163, %reduce_sum3A_164 [1, 2] : vector<1x512x128xf32> to vector<1xf32>
    %reduce_sum3A_166 = vector.shape_cast %reduce_sum3A_165 : vector<1xf32> to vector<1x1x1xf32>
    %reduce_sum3A_167 = vector.extract %reduce_sum3A_166[0, 0, 0] : f32 from vector<1x1x1xf32>
    %add3A_168 = arith.addf %get3A_156, %reduce_sum3A_167 : f32
    %swap3A_169 = arith.constant 1 : index
    %swap3A_170 = arith.constant 3 : index
    %swap3A_171 = memref.load %arg3[%swap3A_169, %swap3A_170] : memref<4x4xf32, #tpu.memory_space<smem>>
    memref.store %add3A_168, %arg3[%swap3A_169, %swap3A_170] : memref<4x4xf32, #tpu.memory_space<smem>>
    %get3A_172 = arith.constant 2 : index
    %get3A_173 = arith.constant 0 : index
    %get3A_174 = arith.constant 0 : index
    %get3A_175 = vector.load %arg1[%get3A_172, %get3A_173, %get3A_174] : memref<4x512x128xf32, #tpu.memory_space<vmem>>, vector<1x512x128xf32>
    %get3A_176 = vector.shape_cast %get3A_175 : vector<1x512x128xf32> to vector<512x128xf32>
    %get3A_177 = arith.constant 2 : index
    %get3A_178 = arith.constant 0 : index
    %get3A_179 = memref.load %arg3[%get3A_177, %get3A_178] : memref<4x4xf32, #tpu.memory_space<smem>>
    %get3A_180 = arith.constant 0 : index
    %get3A_181 = arith.constant 0 : index
    %get3A_182 = arith.constant 0 : index
    %get3A_183 = vector.load %arg2[%get3A_180, %get3A_181, %get3A_182] : memref<4x512x128xf32, #tpu.memory_space<vmem>>, vector<1x512x128xf32>
    %get3A_184 = vector.shape_cast %get3A_183 : vector<1x512x128xf32> to vector<512x128xf32>
    %mul3A_185 = arith.mulf %get3A_176, %get3A_184 : vector<512x128xf32>
    %reduce_sum3A_186 = vector.shape_cast %mul3A_185 : vector<512x128xf32> to vector<1x512x128xf32>
    %reduce_sum3A_187 = arith.constant dense<0.000000e+00> : vector<1xf32>
    %reduce_sum3A_188 = vector.multi_reduction <add>, %reduce_sum3A_186, %reduce_sum3A_187 [1, 2] : vector<1x512x128xf32> to vector<1xf32>
    %reduce_sum3A_189 = vector.shape_cast %reduce_sum3A_188 : vector<1xf32> to vector<1x1x1xf32>
    %reduce_sum3A_190 = vector.extract %reduce_sum3A_189[0, 0, 0] : f32 from vector<1x1x1xf32>
    %add3A_191 = arith.addf %get3A_179, %reduce_sum3A_190 : f32
    %swap3A_192 = arith.constant 2 : index
    %swap3A_193 = arith.constant 0 : index
    %swap3A_194 = memref.load %arg3[%swap3A_192, %swap3A_193] : memref<4x4xf32, #tpu.memory_space<smem>>
    memref.store %add3A_191, %arg3[%swap3A_192, %swap3A_193] : memref<4x4xf32, #tpu.memory_space<smem>>
    %get3A_195 = arith.constant 2 : index
    %get3A_196 = arith.constant 1 : index
    %get3A_197 = memref.load %arg3[%get3A_195, %get3A_196] : memref<4x4xf32, #tpu.memory_space<smem>>
    %get3A_198 = arith.constant 1 : index
    %get3A_199 = arith.constant 0 : index
    %get3A_200 = arith.constant 0 : index
    %get3A_201 = vector.load %arg2[%get3A_198, %get3A_199, %get3A_200] : memref<4x512x128xf32, #tpu.memory_space<vmem>>, vector<1x512x128xf32>
    %get3A_202 = vector.shape_cast %get3A_201 : vector<1x512x128xf32> to vector<512x128xf32>
    %mul3A_203 = arith.mulf %get3A_176, %get3A_202 : vector<512x128xf32>
    %reduce_sum3A_204 = vector.shape_cast %mul3A_203 : vector<512x128xf32> to vector<1x512x128xf32>
    %reduce_sum3A_205 = arith.constant dense<0.000000e+00> : vector<1xf32>
    %reduce_sum3A_206 = vector.multi_reduction <add>, %reduce_sum3A_204, %reduce_sum3A_205 [1, 2] : vector<1x512x128xf32> to vector<1xf32>
    %reduce_sum3A_207 = vector.shape_cast %reduce_sum3A_206 : vector<1xf32> to vector<1x1x1xf32>
    %reduce_sum3A_208 = vector.extract %reduce_sum3A_207[0, 0, 0] : f32 from vector<1x1x1xf32>
    %add3A_209 = arith.addf %get3A_197, %reduce_sum3A_208 : f32
    %swap3A_210 = arith.constant 2 : index
    %swap3A_211 = arith.constant 1 : index
    %swap3A_212 = memref.load %arg3[%swap3A_210, %swap3A_211] : memref<4x4xf32, #tpu.memory_space<smem>>
    memref.store %add3A_209, %arg3[%swap3A_210, %swap3A_211] : memref<4x4xf32, #tpu.memory_space<smem>>
    %get3A_213 = arith.constant 2 : index
    %get3A_214 = arith.constant 2 : index
    %get3A_215 = memref.load %arg3[%get3A_213, %get3A_214] : memref<4x4xf32, #tpu.memory_space<smem>>
    %get3A_216 = arith.constant 2 : index
    %get3A_217 = arith.constant 0 : index
    %get3A_218 = arith.constant 0 : index
    %get3A_219 = vector.load %arg2[%get3A_216, %get3A_217, %get3A_218] : memref<4x512x128xf32, #tpu.memory_space<vmem>>, vector<1x512x128xf32>
    %get3A_220 = vector.shape_cast %get3A_219 : vector<1x512x128xf32> to vector<512x128xf32>
    %mul3A_221 = arith.mulf %get3A_176, %get3A_220 : vector<512x128xf32>
    %reduce_sum3A_222 = vector.shape_cast %mul3A_221 : vector<512x128xf32> to vector<1x512x128xf32>
    %reduce_sum3A_223 = arith.constant dense<0.000000e+00> : vector<1xf32>
    %reduce_sum3A_224 = vector.multi_reduction <add>, %reduce_sum3A_222, %reduce_sum3A_223 [1, 2] : vector<1x512x128xf32> to vector<1xf32>
    %reduce_sum3A_225 = vector.shape_cast %reduce_sum3A_224 : vector<1xf32> to vector<1x1x1xf32>
    %reduce_sum3A_226 = vector.extract %reduce_sum3A_225[0, 0, 0] : f32 from vector<1x1x1xf32>
    %add3A_227 = arith.addf %get3A_215, %reduce_sum3A_226 : f32
    %swap3A_228 = arith.constant 2 : index
    %swap3A_229 = arith.constant 2 : index
    %swap3A_230 = memref.load %arg3[%swap3A_228, %swap3A_229] : memref<4x4xf32, #tpu.memory_space<smem>>
    memref.store %add3A_227, %arg3[%swap3A_228, %swap3A_229] : memref<4x4xf32, #tpu.memory_space<smem>>
    %get3A_231 = arith.constant 2 : index
    %get3A_232 = arith.constant 3 : index
    %get3A_233 = memref.load %arg3[%get3A_231, %get3A_232] : memref<4x4xf32, #tpu.memory_space<smem>>
    %get3A_234 = arith.constant 3 : index
    %get3A_235 = arith.constant 0 : index
    %get3A_236 = arith.constant 0 : index
    %get3A_237 = vector.load %arg2[%get3A_234, %get3A_235, %get3A_236] : memref<4x512x128xf32, #tpu.memory_space<vmem>>, vector<1x512x128xf32>
    %get3A_238 = vector.shape_cast %get3A_237 : vector<1x512x128xf32> to vector<512x128xf32>
    %mul3A_239 = arith.mulf %get3A_176, %get3A_238 : vector<512x128xf32>
    %reduce_sum3A_240 = vector.shape_cast %mul3A_239 : vector<512x128xf32> to vector<1x512x128xf32>
    %reduce_sum3A_241 = arith.constant dense<0.000000e+00> : vector<1xf32>
    %reduce_sum3A_242 = vector.multi_reduction <add>, %reduce_sum3A_240, %reduce_sum3A_241 [1, 2] : vector<1x512x128xf32> to vector<1xf32>
    %reduce_sum3A_243 = vector.shape_cast %reduce_sum3A_242 : vector<1xf32> to vector<1x1x1xf32>
    %reduce_sum3A_244 = vector.extract %reduce_sum3A_243[0, 0, 0] : f32 from vector<1x1x1xf32>
    %add3A_245 = arith.addf %get3A_233, %reduce_sum3A_244 : f32
    %swap3A_246 = arith.constant 2 : index
    %swap3A_247 = arith.constant 3 : index
    %swap3A_248 = memref.load %arg3[%swap3A_246, %swap3A_247] : memref<4x4xf32, #tpu.memory_space<smem>>
    memref.store %add3A_245, %arg3[%swap3A_246, %swap3A_247] : memref<4x4xf32, #tpu.memory_space<smem>>
    %get3A_249 = arith.constant 3 : index
    %get3A_250 = arith.constant 0 : index
    %get3A_251 = arith.constant 0 : index
    %get3A_252 = vector.load %arg1[%get3A_249, %get3A_250, %get3A_251] : memref<4x512x128xf32, #tpu.memory_space<vmem>>, vector<1x512x128xf32>
    %get3A_253 = vector.shape_cast %get3A_252 : vector<1x512x128xf32> to vector<512x128xf32>
    %get3A_254 = arith.constant 3 : index
    %get3A_255 = arith.constant 0 : index
    %get3A_256 = memref.load %arg3[%get3A_254, %get3A_255] : memref<4x4xf32, #tpu.memory_space<smem>>
    %get3A_257 = arith.constant 0 : index
    %get3A_258 = arith.constant 0 : index
    %get3A_259 = arith.constant 0 : index
    %get3A_260 = vector.load %arg2[%get3A_257, %get3A_258, %get3A_259] : memref<4x512x128xf32, #tpu.memory_space<vmem>>, vector<1x512x128xf32>
    %get3A_261 = vector.shape_cast %get3A_260 : vector<1x512x128xf32> to vector<512x128xf32>
    %mul3A_262 = arith.mulf %get3A_253, %get3A_261 : vector<512x128xf32>
    %reduce_sum3A_263 = vector.shape_cast %mul3A_262 : vector<512x128xf32> to vector<1x512x128xf32>
    %reduce_sum3A_264 = arith.constant dense<0.000000e+00> : vector<1xf32>
    %reduce_sum3A_265 = vector.multi_reduction <add>, %reduce_sum3A_263, %reduce_sum3A_264 [1, 2] : vector<1x512x128xf32> to vector<1xf32>
    %reduce_sum3A_266 = vector.shape_cast %reduce_sum3A_265 : vector<1xf32> to vector<1x1x1xf32>
    %reduce_sum3A_267 = vector.extract %reduce_sum3A_266[0, 0, 0] : f32 from vector<1x1x1xf32>
    %add3A_268 = arith.addf %get3A_256, %reduce_sum3A_267 : f32
    %swap3A_269 = arith.constant 3 : index
    %swap3A_270 = arith.constant 0 : index
    %swap3A_271 = memref.load %arg3[%swap3A_269, %swap3A_270] : memref<4x4xf32, #tpu.memory_space<smem>>
    memref.store %add3A_268, %arg3[%swap3A_269, %swap3A_270] : memref<4x4xf32, #tpu.memory_space<smem>>
    %get3A_272 = arith.constant 3 : index
    %get3A_273 = arith.constant 1 : index
    %get3A_274 = memref.load %arg3[%get3A_272, %get3A_273] : memref<4x4xf32, #tpu.memory_space<smem>>
    %get3A_275 = arith.constant 1 : index
    %get3A_276 = arith.constant 0 : index
    %get3A_277 = arith.constant 0 : index
    %get3A_278 = vector.load %arg2[%get3A_275, %get3A_276, %get3A_277] : memref<4x512x128xf32, #tpu.memory_space<vmem>>, vector<1x512x128xf32>
    %get3A_279 = vector.shape_cast %get3A_278 : vector<1x512x128xf32> to vector<512x128xf32>
    %mul3A_280 = arith.mulf %get3A_253, %get3A_279 : vector<512x128xf32>
    %reduce_sum3A_281 = vector.shape_cast %mul3A_280 : vector<512x128xf32> to vector<1x512x128xf32>
    %reduce_sum3A_282 = arith.constant dense<0.000000e+00> : vector<1xf32>
    %reduce_sum3A_283 = vector.multi_reduction <add>, %reduce_sum3A_281, %reduce_sum3A_282 [1, 2] : vector<1x512x128xf32> to vector<1xf32>
    %reduce_sum3A_284 = vector.shape_cast %reduce_sum3A_283 : vector<1xf32> to vector<1x1x1xf32>
    %reduce_sum3A_285 = vector.extract %reduce_sum3A_284[0, 0, 0] : f32 from vector<1x1x1xf32>
    %add3A_286 = arith.addf %get3A_274, %reduce_sum3A_285 : f32
    %swap3A_287 = arith.constant 3 : index
    %swap3A_288 = arith.constant 1 : index
    %swap3A_289 = memref.load %arg3[%swap3A_287, %swap3A_288] : memref<4x4xf32, #tpu.memory_space<smem>>
    memref.store %add3A_286, %arg3[%swap3A_287, %swap3A_288] : memref<4x4xf32, #tpu.memory_space<smem>>
    %get3A_290 = arith.constant 3 : index
    %get3A_291 = arith.constant 2 : index
    %get3A_292 = memref.load %arg3[%get3A_290, %get3A_291] : memref<4x4xf32, #tpu.memory_space<smem>>
    %get3A_293 = arith.constant 2 : index
    %get3A_294 = arith.constant 0 : index
    %get3A_295 = arith.constant 0 : index
    %get3A_296 = vector.load %arg2[%get3A_293, %get3A_294, %get3A_295] : memref<4x512x128xf32, #tpu.memory_space<vmem>>, vector<1x512x128xf32>
    %get3A_297 = vector.shape_cast %get3A_296 : vector<1x512x128xf32> to vector<512x128xf32>
    %mul3A_298 = arith.mulf %get3A_253, %get3A_297 : vector<512x128xf32>
    %reduce_sum3A_299 = vector.shape_cast %mul3A_298 : vector<512x128xf32> to vector<1x512x128xf32>
    %reduce_sum3A_300 = arith.constant dense<0.000000e+00> : vector<1xf32>
    %reduce_sum3A_301 = vector.multi_reduction <add>, %reduce_sum3A_299, %reduce_sum3A_300 [1, 2] : vector<1x512x128xf32> to vector<1xf32>
    %reduce_sum3A_302 = vector.shape_cast %reduce_sum3A_301 : vector<1xf32> to vector<1x1x1xf32>
    %reduce_sum3A_303 = vector.extract %reduce_sum3A_302[0, 0, 0] : f32 from vector<1x1x1xf32>
    %add3A_304 = arith.addf %get3A_292, %reduce_sum3A_303 : f32
    %swap3A_305 = arith.constant 3 : index
    %swap3A_306 = arith.constant 2 : index
    %swap3A_307 = memref.load %arg3[%swap3A_305, %swap3A_306] : memref<4x4xf32, #tpu.memory_space<smem>>
    memref.store %add3A_304, %arg3[%swap3A_305, %swap3A_306] : memref<4x4xf32, #tpu.memory_space<smem>>
    %get3A_308 = arith.constant 3 : index
    %get3A_309 = arith.constant 3 : index
    %get3A_310 = memref.load %arg3[%get3A_308, %get3A_309] : memref<4x4xf32, #tpu.memory_space<smem>>
    %get3A_311 = arith.constant 3 : index
    %get3A_312 = arith.constant 0 : index
    %get3A_313 = arith.constant 0 : index
    %get3A_314 = vector.load %arg2[%get3A_311, %get3A_312, %get3A_313] : memref<4x512x128xf32, #tpu.memory_space<vmem>>, vector<1x512x128xf32>
    %get3A_315 = vector.shape_cast %get3A_314 : vector<1x512x128xf32> to vector<512x128xf32>
    %mul3A_316 = arith.mulf %get3A_253, %get3A_315 : vector<512x128xf32>
    %reduce_sum3A_317 = vector.shape_cast %mul3A_316 : vector<512x128xf32> to vector<1x512x128xf32>
    %reduce_sum3A_318 = arith.constant dense<0.000000e+00> : vector<1xf32>
    %reduce_sum3A_319 = vector.multi_reduction <add>, %reduce_sum3A_317, %reduce_sum3A_318 [1, 2] : vector<1x512x128xf32> to vector<1xf32>
    %reduce_sum3A_320 = vector.shape_cast %reduce_sum3A_319 : vector<1xf32> to vector<1x1x1xf32>
    %reduce_sum3A_321 = vector.extract %reduce_sum3A_320[0, 0, 0] : f32 from vector<1x1x1xf32>
    %add3A_322 = arith.addf %get3A_310, %reduce_sum3A_321 : f32
    %swap3A_323 = arith.constant 3 : index
    %swap3A_324 = arith.constant 3 : index
    %swap3A_325 = memref.load %arg3[%swap3A_323, %swap3A_324] : memref<4x4xf32, #tpu.memory_space<smem>>
    memref.store %add3A_322, %arg3[%swap3A_323, %swap3A_324] : memref<4x4xf32, #tpu.memory_space<smem>>
    return
  }
  func.func @transform_0(%arg0: i32) -> (i32, i32, i32) {
    %c0_i32 = arith.constant 0 : i32
    %c0_i32_0 = arith.constant 0 : i32
    %c0_i32_1 = arith.constant 0 : i32
    return %c0_i32, %arg0, %c0_i32_0 : i32, i32, i32
  }
  func.func @transform_1(%arg0: i32) -> (i32, i32, i32) {
    %c0_i32 = arith.constant 0 : i32
    %c0_i32_0 = arith.constant 0 : i32
    %c0_i32_1 = arith.constant 0 : i32
    return %c0_i32, %arg0, %c0_i32_0 : i32, i32, i32
  }
  func.func @transform_2(%arg0: i32) -> (i32, i32) {
    %c0_i32 = arith.constant 0 : i32
    %c0_i32_0 = arith.constant 0 : i32
    %c0_i32_1 = arith.constant 0 : i32
    return %c0_i32, %c0_i32_0 : i32, i32
  }
  func.func @transform_3(%arg0: i32) -> (i32, i32) {
    %c0_i32 = arith.constant 0 : i32
    %c0_i32_0 = arith.constant 0 : i32
    %c0_i32_1 = arith.constant 0 : i32
    return %c0_i32, %c0_i32_0 : i32, i32
  }
}

module attributes {stable_mosaic.version = 14 : i64} {
  func.func @_tc_final_body(%arg0: i32, %arg1: memref<4x512x128xf32, #tpu.memory_space<vmem>>, %arg2: memref<512x128xf32, #tpu.memory_space<vmem>>, %arg3: memref<512x1xf32, #tpu.memory_space<vmem>>, %arg4: memref<8x128xf32, #tpu.memory_space<vmem>>, %arg5: memref<8x128xf32, #tpu.memory_space<vmem>>, %arg6: memref<8x128xf32, #tpu.memory_space<vmem>>, %arg7: memref<256x512xf32, #tpu.memory_space<vmem>>, %arg8: memref<512x128xf32, #tpu.memory_space<vmem>>, %arg9: memref<1x1xf32, #tpu.memory_space<smem>>, %arg10: memref<1x1xf32, #tpu.memory_space<smem>>, %arg11: memref<1x1xf32, #tpu.memory_space<smem>>, %arg12: memref<4xf32, #tpu.memory_space<smem>>) attributes {dimension_semantics = [#tpu.dimension_semantics<arbitrary>], iteration_bounds = array<i64: 20>, scalar_prefetch = 0 : i64, scratch_operands = 1 : i64, tpu.core_type = #tpu.core_type<tc>, window_params = [{transform_indices = @transform_0, window_bounds = array<i64: 4, 512, 128>}, {transform_indices = @transform_1, window_bounds = array<i64: 512, 128>}, {transform_indices = @transform_2, window_bounds = array<i64: 512, 1>}, {pipeline_mode = #tpu.pipeline_mode<synchronous>, transform_indices = @transform_3, window_bounds = array<i64: 8, 128>}, {pipeline_mode = #tpu.pipeline_mode<synchronous>, transform_indices = @transform_4, window_bounds = array<i64: 8, 128>}, {pipeline_mode = #tpu.pipeline_mode<synchronous>, transform_indices = @transform_5, window_bounds = array<i64: 8, 128>}, {pipeline_mode = #tpu.pipeline_mode<synchronous>, transform_indices = @transform_6, window_bounds = array<i64: 256, 512>}, {pipeline_mode = #tpu.pipeline_mode<synchronous>, transform_indices = @transform_7, window_bounds = array<i64: 512, 128>}, {transform_indices = @transform_8, window_bounds = array<i64: 1, 1>}, {transform_indices = @transform_9, window_bounds = array<i64: 1, 1>}, {transform_indices = @transform_10, window_bounds = array<i64: 1, 1>}]} {
    %eq3A = arith.constant 0 : i32
    %eq3A_0 = arith.cmpi eq, %arg0, %eq3A : i32
    %convert_element_type3A = arith.extui %eq3A_0 : i1 to i32
    %cond3A = arith.constant 0 : i32
    %cond3A_1 = arith.cmpi ne, %convert_element_type3A, %cond3A : i32
    scf.if %cond3A_1 {
      %swap3A_151 = arith.constant 0.000000e+00 : f32
      %swap3A_152 = arith.constant 0 : index
      %swap3A_153 = memref.load %arg12[%swap3A_152] : memref<4xf32, #tpu.memory_space<smem>>
      memref.store %swap3A_151, %arg12[%swap3A_152] : memref<4xf32, #tpu.memory_space<smem>>
      %swap3A_154 = arith.constant 0.000000e+00 : f32
      %swap3A_155 = arith.constant 1 : index
      %swap3A_156 = memref.load %arg12[%swap3A_155] : memref<4xf32, #tpu.memory_space<smem>>
      memref.store %swap3A_154, %arg12[%swap3A_155] : memref<4xf32, #tpu.memory_space<smem>>
      %swap3A_157 = arith.constant 0.000000e+00 : f32
      %swap3A_158 = arith.constant 2 : index
      %swap3A_159 = memref.load %arg12[%swap3A_158] : memref<4xf32, #tpu.memory_space<smem>>
      memref.store %swap3A_157, %arg12[%swap3A_158] : memref<4xf32, #tpu.memory_space<smem>>
      %get3A_160 = arith.constant 0 : index
      %get3A_161 = arith.constant 0 : index
      %get3A_162 = vector.load %arg7[%get3A_160, %get3A_161] : memref<256x512xf32, #tpu.memory_space<vmem>>, vector<256x512xf32>
      %get3A_163 = arith.constant 0 : index
      %get3A_164 = arith.constant 0 : index
      %get3A_165 = vector.load %arg7[%get3A_163, %get3A_164] : memref<256x512xf32, #tpu.memory_space<vmem>>, vector<256x512xf32>
      %mul3A_166 = arith.mulf %get3A_162, %get3A_165 : vector<256x512xf32>
      %reduce_sum3A_167 = vector.shape_cast %mul3A_166 : vector<256x512xf32> to vector<1x256x512xf32>
      %reduce_sum3A_168 = arith.constant dense<0.000000e+00> : vector<1xf32>
      %reduce_sum3A_169 = vector.multi_reduction <add>, %reduce_sum3A_167, %reduce_sum3A_168 [1, 2] : vector<1x256x512xf32> to vector<1xf32>
      %reduce_sum3A_170 = vector.shape_cast %reduce_sum3A_169 : vector<1xf32> to vector<1x1x1xf32>
      %reduce_sum3A_171 = vector.extract %reduce_sum3A_170[0, 0, 0] : f32 from vector<1x1x1xf32>
      %get3A_172 = arith.constant 0 : index
      %get3A_173 = arith.constant 0 : index
      %get3A_174 = vector.load %arg8[%get3A_172, %get3A_173] : memref<512x128xf32, #tpu.memory_space<vmem>>, vector<512x128xf32>
      %get3A_175 = arith.constant 0 : index
      %get3A_176 = arith.constant 0 : index
      %get3A_177 = vector.load %arg8[%get3A_175, %get3A_176] : memref<512x128xf32, #tpu.memory_space<vmem>>, vector<512x128xf32>
      %mul3A_178 = arith.mulf %get3A_174, %get3A_177 : vector<512x128xf32>
      %reduce_sum3A_179 = vector.shape_cast %mul3A_178 : vector<512x128xf32> to vector<1x512x128xf32>
      %reduce_sum3A_180 = arith.constant dense<0.000000e+00> : vector<1xf32>
      %reduce_sum3A_181 = vector.multi_reduction <add>, %reduce_sum3A_179, %reduce_sum3A_180 [1, 2] : vector<1x512x128xf32> to vector<1xf32>
      %reduce_sum3A_182 = vector.shape_cast %reduce_sum3A_181 : vector<1xf32> to vector<1x1x1xf32>
      %reduce_sum3A_183 = vector.extract %reduce_sum3A_182[0, 0, 0] : f32 from vector<1x1x1xf32>
      %add3A_184 = arith.addf %reduce_sum3A_171, %reduce_sum3A_183 : f32
      %swap3A_185 = arith.constant 3 : index
      %swap3A_186 = memref.load %arg12[%swap3A_185] : memref<4xf32, #tpu.memory_space<smem>>
      memref.store %add3A_184, %arg12[%swap3A_185] : memref<4xf32, #tpu.memory_space<smem>>
    } else {
    }
    %get3A = arith.constant 0 : index
    %get3A_2 = arith.constant 0 : index
    %get3A_3 = vector.load %arg4[%get3A, %get3A_2] : memref<8x128xf32, #tpu.memory_space<vmem>>, vector<8x128xf32>
    %get3A_4 = arith.constant 0 : index
    %get3A_5 = arith.constant 0 : index
    %get3A_6 = vector.load %arg5[%get3A_4, %get3A_5] : memref<8x128xf32, #tpu.memory_space<vmem>>, vector<8x128xf32>
    %add3A = arith.addf %get3A_3, %get3A_6 : vector<8x128xf32>
    %tanh3A = math.tanh %add3A : vector<8x128xf32>
    %get3A_7 = arith.constant 0 : index
    %get3A_8 = arith.constant 0 : index
    %get3A_9 = vector.load %arg6[%get3A_7, %get3A_8] : memref<8x128xf32, #tpu.memory_space<vmem>>, vector<8x128xf32>
    %mul3A = arith.mulf %tanh3A, %get3A_9 : vector<8x128xf32>
    %reduce_sum3A = arith.constant dense<0.000000e+00> : vector<8xf32>
    %reduce_sum3A_10 = vector.multi_reduction <add>, %mul3A, %reduce_sum3A [1] : vector<8x128xf32> to vector<8xf32>
    %broadcast_in_dim3A = vector.shape_cast %reduce_sum3A_10 : vector<8xf32> to vector<8x1xf32>
    %iota3A = tpu.iota {dimensions = array<i32: 0>} : vector<8x1xi32>
    %lt3A = arith.constant 4 : i32
    %lt3A_11 = vector.broadcast %lt3A : i32 to vector<8x1xi32>
    %lt3A_12 = arith.cmpi slt, %iota3A, %lt3A_11 : vector<8x1xi32>
    %jit3A = arith.constant -1.000000e+30 : f32
    %broadcast_in_dim3A_13 = vector.broadcast %jit3A : f32 to vector<8x1xf32>
    %select_n3A = arith.select %lt3A_12, %broadcast_in_dim3A, %broadcast_in_dim3A_13 : vector<8x1xi1>, vector<8x1xf32>
    %reduce_max3A = vector.shape_cast %select_n3A : vector<8x1xf32> to vector<1x8x1xf32>
    %reduce_max3A_14 = arith.constant dense<0xFF800000> : vector<1xf32>
    %reduce_max3A_15 = vector.multi_reduction <maximumf>, %reduce_max3A, %reduce_max3A_14 [1, 2] : vector<1x8x1xf32> to vector<1xf32>
    %reduce_max3A_16 = vector.shape_cast %reduce_max3A_15 : vector<1xf32> to vector<1x1x1xf32>
    %reduce_max3A_17 = vector.extract %reduce_max3A_16[0, 0, 0] : f32 from vector<1x1x1xf32>
    %sub3A = vector.broadcast %reduce_max3A_17 : f32 to vector<8x1xf32>
    %sub3A_18 = arith.subf %select_n3A, %sub3A : vector<8x1xf32>
    %exp3A = math.exp %sub3A_18 : vector<8x1xf32>
    %reduce_sum3A_19 = vector.shape_cast %exp3A : vector<8x1xf32> to vector<1x8x1xf32>
    %reduce_sum3A_20 = arith.constant dense<0.000000e+00> : vector<1xf32>
    %reduce_sum3A_21 = vector.multi_reduction <add>, %reduce_sum3A_19, %reduce_sum3A_20 [1, 2] : vector<1x8x1xf32> to vector<1xf32>
    %reduce_sum3A_22 = vector.shape_cast %reduce_sum3A_21 : vector<1xf32> to vector<1x1x1xf32>
    %reduce_sum3A_23 = vector.extract %reduce_sum3A_22[0, 0, 0] : f32 from vector<1x1x1xf32>
    %div3A = vector.broadcast %reduce_sum3A_23 : f32 to vector<8x1xf32>
    %div3A_24 = arith.divf %exp3A, %div3A : vector<8x1xf32>
    %broadcast_in_dim3A_25 = arith.constant 0.000000e+00 : f32
    %broadcast_in_dim3A_26 = vector.broadcast %broadcast_in_dim3A_25 : f32 to vector<512x128xf32>
    %slice3A = vector.extract_strided_slice %div3A_24 {offsets = [0, 0], sizes = [1, 1], strides = [1, 1]} : vector<8x1xf32> to vector<1x1xf32>
    %squeeze3A = vector.extract %slice3A[0, 0] : f32 from vector<1x1xf32>
    %get3A_27 = arith.constant 0 : index
    %get3A_28 = arith.constant 0 : index
    %get3A_29 = arith.constant 0 : index
    %get3A_30 = vector.load %arg1[%get3A_27, %get3A_28, %get3A_29] : memref<4x512x128xf32, #tpu.memory_space<vmem>>, vector<1x512x128xf32>
    %get3A_31 = vector.shape_cast %get3A_30 : vector<1x512x128xf32> to vector<512x128xf32>
    %mul3A_32 = vector.broadcast %squeeze3A : f32 to vector<512x128xf32>
    %mul3A_33 = arith.mulf %mul3A_32, %get3A_31 : vector<512x128xf32>
    %add3A_34 = arith.addf %broadcast_in_dim3A_26, %mul3A_33 : vector<512x128xf32>
    %slice3A_35 = vector.extract_strided_slice %div3A_24 {offsets = [1, 0], sizes = [1, 1], strides = [1, 1]} : vector<8x1xf32> to vector<1x1xf32>
    %squeeze3A_36 = vector.extract %slice3A_35[0, 0] : f32 from vector<1x1xf32>
    %get3A_37 = arith.constant 1 : index
    %get3A_38 = arith.constant 0 : index
    %get3A_39 = arith.constant 0 : index
    %get3A_40 = vector.load %arg1[%get3A_37, %get3A_38, %get3A_39] : memref<4x512x128xf32, #tpu.memory_space<vmem>>, vector<1x512x128xf32>
    %get3A_41 = vector.shape_cast %get3A_40 : vector<1x512x128xf32> to vector<512x128xf32>
    %mul3A_42 = vector.broadcast %squeeze3A_36 : f32 to vector<512x128xf32>
    %mul3A_43 = arith.mulf %mul3A_42, %get3A_41 : vector<512x128xf32>
    %add3A_44 = arith.addf %add3A_34, %mul3A_43 : vector<512x128xf32>
    %slice3A_45 = vector.extract_strided_slice %div3A_24 {offsets = [2, 0], sizes = [1, 1], strides = [1, 1]} : vector<8x1xf32> to vector<1x1xf32>
    %squeeze3A_46 = vector.extract %slice3A_45[0, 0] : f32 from vector<1x1xf32>
    %get3A_47 = arith.constant 2 : index
    %get3A_48 = arith.constant 0 : index
    %get3A_49 = arith.constant 0 : index
    %get3A_50 = vector.load %arg1[%get3A_47, %get3A_48, %get3A_49] : memref<4x512x128xf32, #tpu.memory_space<vmem>>, vector<1x512x128xf32>
    %get3A_51 = vector.shape_cast %get3A_50 : vector<1x512x128xf32> to vector<512x128xf32>
    %mul3A_52 = vector.broadcast %squeeze3A_46 : f32 to vector<512x128xf32>
    %mul3A_53 = arith.mulf %mul3A_52, %get3A_51 : vector<512x128xf32>
    %add3A_54 = arith.addf %add3A_44, %mul3A_53 : vector<512x128xf32>
    %slice3A_55 = vector.extract_strided_slice %div3A_24 {offsets = [3, 0], sizes = [1, 1], strides = [1, 1]} : vector<8x1xf32> to vector<1x1xf32>
    %squeeze3A_56 = vector.extract %slice3A_55[0, 0] : f32 from vector<1x1xf32>
    %get3A_57 = arith.constant 3 : index
    %get3A_58 = arith.constant 0 : index
    %get3A_59 = arith.constant 0 : index
    %get3A_60 = vector.load %arg1[%get3A_57, %get3A_58, %get3A_59] : memref<4x512x128xf32, #tpu.memory_space<vmem>>, vector<1x512x128xf32>
    %get3A_61 = vector.shape_cast %get3A_60 : vector<1x512x128xf32> to vector<512x128xf32>
    %mul3A_62 = vector.broadcast %squeeze3A_56 : f32 to vector<512x128xf32>
    %mul3A_63 = arith.mulf %mul3A_62, %get3A_61 : vector<512x128xf32>
    %add3A_64 = arith.addf %add3A_54, %mul3A_63 : vector<512x128xf32>
    %reduce_max3A_65 = arith.constant dense<0xFF800000> : vector<512xf32>
    %reduce_max3A_66 = vector.multi_reduction <maximumf>, %add3A_64, %reduce_max3A_65 [1] : vector<512x128xf32> to vector<512xf32>
    %broadcast_in_dim3A_67 = vector.shape_cast %reduce_max3A_66 : vector<512xf32> to vector<512x1xf32>
    %sub3A_68 = vector.broadcast %broadcast_in_dim3A_67 : vector<512x1xf32> to vector<512x128xf32>
    %sub3A_69 = arith.subf %add3A_64, %sub3A_68 : vector<512x128xf32>
    %exp3A_70 = math.exp %sub3A_69 : vector<512x128xf32>
    %reduce_sum3A_71 = arith.constant dense<0.000000e+00> : vector<512xf32>
    %reduce_sum3A_72 = vector.multi_reduction <add>, %exp3A_70, %reduce_sum3A_71 [1] : vector<512x128xf32> to vector<512xf32>
    %broadcast_in_dim3A_73 = vector.shape_cast %reduce_sum3A_72 : vector<512xf32> to vector<512x1xf32>
    %sub3A_74 = vector.broadcast %broadcast_in_dim3A_67 : vector<512x1xf32> to vector<512x128xf32>
    %sub3A_75 = arith.subf %add3A_64, %sub3A_74 : vector<512x128xf32>
    %log3A = math.log %broadcast_in_dim3A_73 : vector<512x1xf32>
    %sub3A_76 = vector.broadcast %log3A : vector<512x1xf32> to vector<512x128xf32>
    %sub3A_77 = arith.subf %sub3A_75, %sub3A_76 : vector<512x128xf32>
    %get3A_78 = arith.constant 0 : index
    %get3A_79 = arith.constant 0 : index
    %get3A_80 = vector.load %arg2[%get3A_78, %get3A_79] : memref<512x128xf32, #tpu.memory_space<vmem>>, vector<512x128xf32>
    %get3A_81 = arith.constant 0 : index
    %get3A_82 = arith.constant 0 : index
    %get3A_83 = vector.load %arg3[%get3A_81, %get3A_82] : memref<512x1xf32, #tpu.memory_space<vmem>>, vector<512x1xf32>
    %mul3A_84 = arith.mulf %get3A_80, %sub3A_77 : vector<512x128xf32>
    %reduce_sum3A_85 = arith.constant dense<0.000000e+00> : vector<512xf32>
    %reduce_sum3A_86 = vector.multi_reduction <add>, %mul3A_84, %reduce_sum3A_85 [1] : vector<512x128xf32> to vector<512xf32>
    %broadcast_in_dim3A_87 = vector.shape_cast %reduce_sum3A_86 : vector<512xf32> to vector<512x1xf32>
    %neg3A = arith.constant 0.000000e+00 : f32
    %neg3A_88 = vector.broadcast %neg3A : f32 to vector<512x1xf32>
    %neg3A_89 = arith.subf %neg3A_88, %broadcast_in_dim3A_87 : vector<512x1xf32>
    %iota3A_90 = tpu.iota {dimensions = array<i32: 1>} : vector<512x128xi32>
    %eq3A_91 = vector.broadcast %broadcast_in_dim3A_67 : vector<512x1xf32> to vector<512x128xf32>
    %eq3A_92 = arith.cmpf oeq, %add3A_64, %eq3A_91 : vector<512x128xf32>
    %jit3A_93 = arith.constant 128 : i32
    %broadcast_in_dim3A_94 = vector.broadcast %jit3A_93 : i32 to vector<512x128xi32>
    %select_n3A_95 = arith.select %eq3A_92, %iota3A_90, %broadcast_in_dim3A_94 : vector<512x128xi1>, vector<512x128xi32>
    %reduce_min3A = arith.constant dense<2147483647> : vector<512xi32>
    %reduce_min3A_96 = vector.multi_reduction <minsi>, %select_n3A_95, %reduce_min3A [1] : vector<512x128xi32> to vector<512xi32>
    %broadcast_in_dim3A_97 = vector.shape_cast %reduce_min3A_96 : vector<512xi32> to vector<512x1xi32>
    %reduce_max3A_98 = arith.constant dense<0xFF800000> : vector<512xf32>
    %reduce_max3A_99 = vector.multi_reduction <maximumf>, %get3A_80, %reduce_max3A_98 [1] : vector<512x128xf32> to vector<512xf32>
    %broadcast_in_dim3A_100 = vector.shape_cast %reduce_max3A_99 : vector<512xf32> to vector<512x1xf32>
    %eq3A_101 = vector.broadcast %broadcast_in_dim3A_100 : vector<512x1xf32> to vector<512x128xf32>
    %eq3A_102 = arith.cmpf oeq, %get3A_80, %eq3A_101 : vector<512x128xf32>
    %jit3A_103 = arith.constant 128 : i32
    %broadcast_in_dim3A_104 = vector.broadcast %jit3A_103 : i32 to vector<512x128xi32>
    %select_n3A_105 = arith.select %eq3A_102, %iota3A_90, %broadcast_in_dim3A_104 : vector<512x128xi1>, vector<512x128xi32>
    %reduce_min3A_106 = arith.constant dense<2147483647> : vector<512xi32>
    %reduce_min3A_107 = vector.multi_reduction <minsi>, %select_n3A_105, %reduce_min3A_106 [1] : vector<512x128xi32> to vector<512xi32>
    %broadcast_in_dim3A_108 = vector.shape_cast %reduce_min3A_107 : vector<512xi32> to vector<512x1xi32>
    %eq3A_109 = arith.cmpi eq, %broadcast_in_dim3A_97, %broadcast_in_dim3A_108 : vector<512x1xi32>
    %jit3A_110 = arith.constant 1.000000e+00 : f32
    %jit3A_111 = arith.constant 0.000000e+00 : f32
    %broadcast_in_dim3A_112 = vector.broadcast %jit3A_110 : f32 to vector<512x1xf32>
    %broadcast_in_dim3A_113 = vector.broadcast %jit3A_111 : f32 to vector<512x1xf32>
    %select_n3A_114 = arith.select %eq3A_109, %broadcast_in_dim3A_112, %broadcast_in_dim3A_113 : vector<512x1xi1>, vector<512x1xf32>
    %get3A_115 = arith.constant 0 : index
    %get3A_116 = memref.load %arg12[%get3A_115] : memref<4xf32, #tpu.memory_space<smem>>
    %mul3A_117 = arith.mulf %neg3A_89, %get3A_83 : vector<512x1xf32>
    %reduce_sum3A_118 = vector.shape_cast %mul3A_117 : vector<512x1xf32> to vector<1x512x1xf32>
    %reduce_sum3A_119 = arith.constant dense<0.000000e+00> : vector<1xf32>
    %reduce_sum3A_120 = vector.multi_reduction <add>, %reduce_sum3A_118, %reduce_sum3A_119 [1, 2] : vector<1x512x1xf32> to vector<1xf32>
    %reduce_sum3A_121 = vector.shape_cast %reduce_sum3A_120 : vector<1xf32> to vector<1x1x1xf32>
    %reduce_sum3A_122 = vector.extract %reduce_sum3A_121[0, 0, 0] : f32 from vector<1x1x1xf32>
    %add3A_123 = arith.addf %get3A_116, %reduce_sum3A_122 : f32
    %swap3A = arith.constant 0 : index
    %swap3A_124 = memref.load %arg12[%swap3A] : memref<4xf32, #tpu.memory_space<smem>>
    memref.store %add3A_123, %arg12[%swap3A] : memref<4xf32, #tpu.memory_space<smem>>
    %get3A_125 = arith.constant 1 : index
    %get3A_126 = memref.load %arg12[%get3A_125] : memref<4xf32, #tpu.memory_space<smem>>
    %reduce_sum3A_127 = vector.shape_cast %get3A_83 : vector<512x1xf32> to vector<1x512x1xf32>
    %reduce_sum3A_128 = arith.constant dense<0.000000e+00> : vector<1xf32>
    %reduce_sum3A_129 = vector.multi_reduction <add>, %reduce_sum3A_127, %reduce_sum3A_128 [1, 2] : vector<1x512x1xf32> to vector<1xf32>
    %reduce_sum3A_130 = vector.shape_cast %reduce_sum3A_129 : vector<1xf32> to vector<1x1x1xf32>
    %reduce_sum3A_131 = vector.extract %reduce_sum3A_130[0, 0, 0] : f32 from vector<1x1x1xf32>
    %add3A_132 = arith.addf %get3A_126, %reduce_sum3A_131 : f32
    %swap3A_133 = arith.constant 1 : index
    %swap3A_134 = memref.load %arg12[%swap3A_133] : memref<4xf32, #tpu.memory_space<smem>>
    memref.store %add3A_132, %arg12[%swap3A_133] : memref<4xf32, #tpu.memory_space<smem>>
    %get3A_135 = arith.constant 2 : index
    %get3A_136 = memref.load %arg12[%get3A_135] : memref<4xf32, #tpu.memory_space<smem>>
    %mul3A_137 = arith.mulf %select_n3A_114, %get3A_83 : vector<512x1xf32>
    %reduce_sum3A_138 = vector.shape_cast %mul3A_137 : vector<512x1xf32> to vector<1x512x1xf32>
    %reduce_sum3A_139 = arith.constant dense<0.000000e+00> : vector<1xf32>
    %reduce_sum3A_140 = vector.multi_reduction <add>, %reduce_sum3A_138, %reduce_sum3A_139 [1, 2] : vector<1x512x1xf32> to vector<1xf32>
    %reduce_sum3A_141 = vector.shape_cast %reduce_sum3A_140 : vector<1xf32> to vector<1x1x1xf32>
    %reduce_sum3A_142 = vector.extract %reduce_sum3A_141[0, 0, 0] : f32 from vector<1x1x1xf32>
    %add3A_143 = arith.addf %get3A_136, %reduce_sum3A_142 : f32
    %swap3A_144 = arith.constant 2 : index
    %swap3A_145 = memref.load %arg12[%swap3A_144] : memref<4xf32, #tpu.memory_space<smem>>
    memref.store %add3A_143, %arg12[%swap3A_144] : memref<4xf32, #tpu.memory_space<smem>>
    %eq3A_146 = arith.constant 19 : i32
    %eq3A_147 = arith.cmpi eq, %arg0, %eq3A_146 : i32
    %convert_element_type3A_148 = arith.extui %eq3A_147 : i1 to i32
    %cond3A_149 = arith.constant 0 : i32
    %cond3A_150 = arith.cmpi ne, %convert_element_type3A_148, %cond3A_149 : i32
    scf.if %cond3A_150 {
      %get3A_151 = arith.constant 0 : index
      %get3A_152 = arith.constant 0 : index
      %get3A_153 = vector.load %arg5[%get3A_151, %get3A_152] : memref<8x128xf32, #tpu.memory_space<vmem>>, vector<8x128xf32>
      %get3A_154 = arith.constant 0 : index
      %get3A_155 = arith.constant 0 : index
      %get3A_156 = vector.load %arg5[%get3A_154, %get3A_155] : memref<8x128xf32, #tpu.memory_space<vmem>>, vector<8x128xf32>
      %mul3A_157 = arith.mulf %get3A_153, %get3A_156 : vector<8x128xf32>
      %reduce_sum3A_158 = vector.shape_cast %mul3A_157 : vector<8x128xf32> to vector<1x8x128xf32>
      %reduce_sum3A_159 = arith.constant dense<0.000000e+00> : vector<1xf32>
      %reduce_sum3A_160 = vector.multi_reduction <add>, %reduce_sum3A_158, %reduce_sum3A_159 [1, 2] : vector<1x8x128xf32> to vector<1xf32>
      %reduce_sum3A_161 = vector.shape_cast %reduce_sum3A_160 : vector<1xf32> to vector<1x1x1xf32>
      %reduce_sum3A_162 = vector.extract %reduce_sum3A_161[0, 0, 0] : f32 from vector<1x1x1xf32>
      %get3A_163 = arith.constant 0 : index
      %get3A_164 = arith.constant 0 : index
      %get3A_165 = vector.load %arg6[%get3A_163, %get3A_164] : memref<8x128xf32, #tpu.memory_space<vmem>>, vector<1x128xf32>
      %get3A_166 = arith.constant 0 : index
      %get3A_167 = arith.constant 0 : index
      %get3A_168 = vector.load %arg6[%get3A_166, %get3A_167] : memref<8x128xf32, #tpu.memory_space<vmem>>, vector<1x128xf32>
      %mul3A_169 = arith.mulf %get3A_165, %get3A_168 : vector<1x128xf32>
      %reduce_sum3A_170 = vector.shape_cast %mul3A_169 : vector<1x128xf32> to vector<1x1x128xf32>
      %reduce_sum3A_171 = arith.constant dense<0.000000e+00> : vector<1xf32>
      %reduce_sum3A_172 = vector.multi_reduction <add>, %reduce_sum3A_170, %reduce_sum3A_171 [1, 2] : vector<1x1x128xf32> to vector<1xf32>
      %reduce_sum3A_173 = vector.shape_cast %reduce_sum3A_172 : vector<1xf32> to vector<1x1x1xf32>
      %reduce_sum3A_174 = vector.extract %reduce_sum3A_173[0, 0, 0] : f32 from vector<1x1x1xf32>
      %get3A_175 = arith.constant 3 : index
      %get3A_176 = memref.load %arg12[%get3A_175] : memref<4xf32, #tpu.memory_space<smem>>
      %get3A_177 = arith.constant 0 : index
      %get3A_178 = arith.constant 0 : index
      %get3A_179 = memref.load %arg9[%get3A_177, %get3A_178] : memref<1x1xf32, #tpu.memory_space<smem>>
      %add3A_180 = arith.addf %get3A_176, %get3A_179 : f32
      %add3A_181 = arith.addf %add3A_180, %reduce_sum3A_162 : f32
      %add3A_182 = arith.addf %add3A_181, %reduce_sum3A_174 : f32
      %mul3A_183 = arith.constant 5.000000e-01 : f32
      %mul3A_184 = arith.mulf %mul3A_183, %add3A_182 : f32
      %mul3A_185 = arith.constant 5.000000e-04 : f32
      %mul3A_186 = arith.mulf %mul3A_185, %mul3A_184 : f32
      %get3A_187 = arith.constant 0 : index
      %get3A_188 = memref.load %arg12[%get3A_187] : memref<4xf32, #tpu.memory_space<smem>>
      %get3A_189 = arith.constant 1 : index
      %get3A_190 = memref.load %arg12[%get3A_189] : memref<4xf32, #tpu.memory_space<smem>>
      %div3A_191 = arith.divf %get3A_188, %get3A_190 : f32
      %add3A_192 = arith.addf %mul3A_186, %div3A_191 : f32
      %swap3A_193 = arith.constant 0 : index
      %swap3A_194 = arith.constant 0 : index
      %swap3A_195 = memref.load %arg10[%swap3A_193, %swap3A_194] : memref<1x1xf32, #tpu.memory_space<smem>>
      memref.store %add3A_192, %arg10[%swap3A_193, %swap3A_194] : memref<1x1xf32, #tpu.memory_space<smem>>
      %get3A_196 = arith.constant 2 : index
      %get3A_197 = memref.load %arg12[%get3A_196] : memref<4xf32, #tpu.memory_space<smem>>
      %get3A_198 = arith.constant 1 : index
      %get3A_199 = memref.load %arg12[%get3A_198] : memref<4xf32, #tpu.memory_space<smem>>
      %div3A_200 = arith.divf %get3A_197, %get3A_199 : f32
      %swap3A_201 = arith.constant 0 : index
      %swap3A_202 = arith.constant 0 : index
      %swap3A_203 = memref.load %arg11[%swap3A_201, %swap3A_202] : memref<1x1xf32, #tpu.memory_space<smem>>
      memref.store %div3A_200, %arg11[%swap3A_201, %swap3A_202] : memref<1x1xf32, #tpu.memory_space<smem>>
    } else {
    }
    return
  }
  func.func @transform_0(%arg0: i32) -> (i32, i32, i32) {
    %c0_i32 = arith.constant 0 : i32
    %c0_i32_0 = arith.constant 0 : i32
    %c0_i32_1 = arith.constant 0 : i32
    return %c0_i32, %arg0, %c0_i32_0 : i32, i32, i32
  }
  func.func @transform_1(%arg0: i32) -> (i32, i32) {
    %c0_i32 = arith.constant 0 : i32
    %c0_i32_0 = arith.constant 0 : i32
    return %arg0, %c0_i32 : i32, i32
  }
  func.func @transform_2(%arg0: i32) -> (i32, i32) {
    %c0_i32 = arith.constant 0 : i32
    %c0_i32_0 = arith.constant 0 : i32
    return %arg0, %c0_i32 : i32, i32
  }
  func.func @transform_3(%arg0: i32) -> (i32, i32) {
    %c0_i32 = arith.constant 0 : i32
    %c0_i32_0 = arith.constant 0 : i32
    %c0_i32_1 = arith.constant 0 : i32
    return %c0_i32, %c0_i32_0 : i32, i32
  }
  func.func @transform_4(%arg0: i32) -> (i32, i32) {
    %c0_i32 = arith.constant 0 : i32
    %c0_i32_0 = arith.constant 0 : i32
    %c0_i32_1 = arith.constant 0 : i32
    return %c0_i32, %c0_i32_0 : i32, i32
  }
  func.func @transform_5(%arg0: i32) -> (i32, i32) {
    %c0_i32 = arith.constant 0 : i32
    %c0_i32_0 = arith.constant 0 : i32
    %c0_i32_1 = arith.constant 0 : i32
    return %c0_i32, %c0_i32_0 : i32, i32
  }
  func.func @transform_6(%arg0: i32) -> (i32, i32) {
    %c0_i32 = arith.constant 0 : i32
    %c0_i32_0 = arith.constant 0 : i32
    %c0_i32_1 = arith.constant 0 : i32
    return %c0_i32, %c0_i32_0 : i32, i32
  }
  func.func @transform_7(%arg0: i32) -> (i32, i32) {
    %c0_i32 = arith.constant 0 : i32
    %c0_i32_0 = arith.constant 0 : i32
    %c0_i32_1 = arith.constant 0 : i32
    return %c0_i32, %c0_i32_0 : i32, i32
  }
  func.func @transform_8(%arg0: i32) -> (i32, i32) {
    %c0_i32 = arith.constant 0 : i32
    %c0_i32_0 = arith.constant 0 : i32
    %c0_i32_1 = arith.constant 0 : i32
    return %c0_i32, %c0_i32_0 : i32, i32
  }
  func.func @transform_9(%arg0: i32) -> (i32, i32) {
    %c0_i32 = arith.constant 0 : i32
    %c0_i32_0 = arith.constant 0 : i32
    %c0_i32_1 = arith.constant 0 : i32
    return %c0_i32, %c0_i32_0 : i32, i32
  }
  func.func @transform_10(%arg0: i32) -> (i32, i32) {
    %c0_i32 = arith.constant 0 : i32
    %c0_i32_0 = arith.constant 0 : i32
    %c0_i32_1 = arith.constant 0 : i32
    return %c0_i32, %c0_i32_0 : i32, i32
  }
}

</mosaic_0001>

<sc_bundles>
// kernel: kernel.10.cloned.1.call-start
scs
__scs_entry_jumppad:
0x0: {  	(pc) =	sbr.rel $0x88, $3  }
0x1: {  	(tag) =	ssettag $0x0;
	lr =	simm.s32 $0x1  }
0x2: {  	[smem:$0x3F98] =	sst lr;
	_ =	strace $0xD0000000  }
0x3: {  	_ = 	snop  }
0x4: {  	_ = 	snop  }
0x5: {  	_ = 	snop  }
0x6: {  	_ = 	snop  }
0x7: {  	_ = 	snop  }
__scs_overlays_trampoline_lowered:
0x8: {  	[smem:$0x3FA7] =	sst s0  }
0x9: {  	[smem:$0x3FA8] =	sst s1  }
0xa: {  	[smem:$0x3FA9] =	sst s2  }
0xb: {  	[smem:$0x3FAA] =	sst s3  }
0xc: {  	[smem:$0x3FAB] =	sst s4  }
0xd: {  	[smem:$0x3FAC] =	sst s5  }
0xe: {  	[smem:$0x3FAD] =	sst s6  }
0xf: {  	[smem:$0x3FAE] =	sst s7  }
0x10: {  	[smem:$0x3FAF] =	sst s8  }
0x11: {  	[smem:$0x3FB0] =	sst s9;
	s0 =	simm.s32 @!p0 $0x0  }
0x12: {  	s1 =	sld [smem:$0x3F96];
	s0 =	simm.s32 @p0 $0x1  }
0x13: {  	[smem:$0x3FB1] =	sst s0;
	s0 =	simm.s32 @!p1 $0x0  }
0x14: {  	s2 =	sld [smem:$0x3F95];
	s0 =	simm.s32 @p1 $0x1  }
0x15: {  	[smem:$0x3FB2] =	sst s0;
	s0 =	simm.s32 @!p2 $0x0  }
0x16: {  	s3 =	sld [smem:$0x3FDB];
	s0 =	simm.s32 @p2 $0x1  }
0x17: {  	s4 =	simm.s32 $0x1BF5;
	[smem:$0x3FB4] =	sst s0  }
0x18: {  	s0 =	sld [smem:$0x3F97];
	_ =	swait.ge [sflag:s4], $0x0  }
0x19: {  	s7 =	sld [smem:$0x3F98]  }
0x1a: {  	s8 =	sadd.s32 $0xFFFFE003, lr  }
0x1b: {  	s9 =	sadd.s32 $0xFFFFFEF7, lr;
	s5 =	simm.s32 $0xFFFFFFFF;
	p2 =	slt.u32 s8, $0xFFFFF086  }
0x1c: {  	p1 =	slt.u32 s9, $0xF7A;
	s5 =	simm.s32 @!p2 $0x0  }
0x1d: {  	s5 =	simm.s32 @p1 $0x1;
	p0 =	seq.s32 s7, s2  }
0x1e: {  	s7 =	smul.u32 @!p0 $0xF7A, s2;
	p2 =	seq.s32 @!p0 s5, $0x0  }
0x1f: {  	s9 =	smul.u32 $0xF7A, s1;
	s8 =	simm.s32 @!p0 $0x1BF5;
	p2 =	por !p2, p0  }
0x20: {  	[sflag:s8] =	ssyncset.s32 @!p0 $0xFFFFF086;
	s6 =	sadd.s32 @!p0 s3, s7;
	s7 =	simm.s32 @!p0 $0x108  }
0x21: {  	s3 =	sadd.s32 s3, s9;
	s6 =	sadd.s32 @!p0 $0x88, s6;
	s7 =	simm.s32 @p2 $0x1082  }
0x22: {  	[simem:s7], [sflag:s8] =	dma.local @!p0 [hbm:s6], $0xF7A  }
0x23: {  	s9 =	sor.u32 $0xD0000000, s2;
	s6 =	simm.s32 $0x108;
	_ =	swait.ge @!p0 [sflag:s8], $0x0  }
0x24: {  	s3 =	sadd.s32 $0x88, s3;
	s6 =	simm.s32 @!p1 $0x1082;
	[sflag:s4] =	ssyncset.s32 $0xFFFFF086  }
0x25: {  	[simem:s6], [sflag:s4] =	dma.local [hbm:s3], $0xF7A  }
0x26: {  	[smem:$0x3F98] =	sst s1;
	(tag) =	ssettag s2;
	_ =	strace s9  }
0x27: {  	s1 =	sld [smem:$0x3FA8]  }
0x28: {  	s2 =	sld [smem:$0x3FA9]  }
0x29: {  	s4 =	sld [smem:$0x3FAB]  }
0x2a: {  	p0 =	seq.s32 s5, $0x0;
	s5 =	sld [smem:$0x3FAC]  }
0x2b: {  	s6 =	sld [smem:$0x3FAD]  }
0x2c: {  	s7 =	sld [smem:$0x3FAE]  }
0x2d: {  	s3 =	simm.s32 $0x108;
	s8 =	sld [smem:$0x3FAF]  }
0x2e: {  	s3 =	simm.s32 @!p0 $0x1082;
	s9 =	sld [smem:$0x3FB0]  }
0x2f: {  	lr =	sadd.s32 s0, s3;
	s0 =	sld [smem:$0x3FA7]  }
0x30: {  	s3 =	sld [smem:$0x3FAA]  }
0x31: {  	[smem:$0x3FB3] =	sst s10  }
0x32: {  	s10 =	sld [smem:$0x3FB1];
	_ =	sdelay $0x3  }
0x33: {  	p0 =	seq.s32 s10, $0x1;
	s10 =	sld [smem:$0x3FB3];
	_ =	sdelay $0x3  }
0x34: {  	[smem:$0x3FB3] =	sst s10  }
0x35: {  	s10 =	sld [smem:$0x3FB2];
	_ =	sdelay $0x3  }
0x36: {  	p1 =	seq.s32 s10, $0x1;
	s10 =	sld [smem:$0x3FB3];
	_ =	sdelay $0x3  }
0x37: {  	[smem:$0x3FB3] =	sst s10  }
0x38: {  	s10 =	sld [smem:$0x3FB4]  }
0x39: {  	_ = 	snop;
	(pc) =	sbr.ind lr, $3  }
0x3a: {  	_ = 	snop  }
0x3b: {  	_ = 	snop  }
0x3c: {  	p2 =	seq.s32 s10, $0x1;
	s10 =	sld [smem:$0x3FB3]  }
0x3d: {  	_ =	shalt  }
0x3e: {  	_ =	shalt  }
0x3f: {  	_ =	shalt  }
0x40: {  	_ =	shalt  }
0x41: {  	_ =	shalt  }
0x42: {  	_ =	shalt  }
0x43: {  	_ =	shalt  }
0x44: {  	_ =	shalt  }
0x45: {  	_ =	shalt  }
0x46: {  	_ =	shalt  }
0x47: {  	_ =	shalt  }
0x48: {  	_ =	shalt  }
0x49: {  	_ =	shalt  }
0x4a: {  	_ =	shalt  }
0x4b: {  	_ =	shalt  }
0x4c: {  	_ =	shalt  }
0x4d: {  	_ =	shalt  }
0x4e: {  	_ =	shalt  }
0x4f: {  	_ =	shalt  }
0x50: {  	_ =	shalt  }
0x51: {  	_ =	shalt  }
0x52: {  	_ =	shalt  }
0x53: {  	_ =	shalt  }
0x54: {  	_ =	shalt  }
0x55: {  	_ =	shalt  }
0x56: {  	_ =	shalt  }
0x57: {  	_ =	shalt  }
0x58: {  	_ =	shalt  }
0x59: {  	_ =	shalt  }
0x5a: {  	_ =	shalt  }
0x5b: {  	_ =	shalt  }
0x5c: {  	_ =	shalt  }
0x5d: {  	_ =	shalt  }
0x5e: {  	_ =	shalt  }
0x5f: {  	_ =	shalt  }
0x60: {  	_ =	shalt  }
0x61: {  	_ =	shalt  }
0x62: {  	_ =	shalt  }
0x63: {  	_ =	shalt  }
0x64: {  	_ =	shalt  }
0x65: {  	_ =	shalt  }
0x66: {  	_ =	shalt  }
0x67: {  	_ =	shalt  }
0x68: {  	_ =	shalt  }
0x69: {  	_ =	shalt  }
0x6a: {  	_ =	shalt  }
0x6b: {  	_ =	shalt  }
0x6c: {  	_ =	shalt  }
0x6d: {  	_ =	shalt  }
0x6e: {  	_ =	shalt  }
0x6f: {  	_ =	shalt  }
0x70: {  	_ =	shalt  }
0x71: {  	_ =	shalt  }
0x72: {  	_ =	shalt  }
0x73: {  	_ =	shalt  }
0x74: {  	_ =	shalt  }
0x75: {  	_ =	shalt  }
0x76: {  	_ =	shalt  }
0x77: {  	_ =	shalt  }
0x78: {  	_ =	shalt  }
0x79: {  	_ =	shalt  }
0x7a: {  	_ =	shalt  }
0x7b: {  	_ =	shalt  }
0x7c: {  	_ =	shalt  }
0x7d: {  	_ =	shalt  }
0x7e: {  	_ =	shalt  }
0x7f: {  	_ =	shalt  }
0x80: {  	_ =	shalt  }
0x81: {  	_ =	shalt  }
0x82: {  	_ =	shalt  }
0x83: {  	_ =	shalt  }
0x84: {  	_ =	shalt  }
0x85: {  	_ =	shalt  }
0x86: {  	_ =	shalt  }
0x87: {  	_ =	shalt  }
.Lfunc_end0:
.L_simem_size_0:
called_computation.1_lowered:
.L_overlay_start_0:
0x88: {  	s2 =	sld [smem:$0x3FD9]  }
0x89: {  	s3 =	sld [smem:$0x3FFE];
	_ =	sdelay $0x1  }
0x8a: {  	s1 =	srdreg.scid  }
0x8b: {  	s0 =	sand.u32 $0x1, s1  }
0x8c: {  	s16 =	sshll.u32 s0, $0xA;
	s2 =	sadd.s32 s3, s2  }
0x8d: {  	s2 =	sadd.s32 s2, s16  }
0x8e: {  	[smem:$0x3FBF] =	sst s2  }
0x8f: {  	_ = 	snop  }
0x90: {  	(tm) =	ssettm $0x1  }
0x91: {  	s17 =	sld [smem:$0x3FFB];
	_ =	sdelay $0x3  }
0x92: {  	_ =	strace s17  }
0x93: {  	s2 =	sld [smem:$0x3FFC];
	_ =	sdelay $0x3  }
0x94: {  	_ =	strace s2  }
0x95: {  	s2 =	sld [smem:$0x3FFD];
	_ =	sdelay $0x3  }
0x96: {  	_ =	strace s2  }
0x97: {  	_ =	strace $0x8FFFFFFF  }
0x98: {  	s18 =	sld [smem:$0x3FDB];
	_ =	sdelay $0x1  }
0x99: {  	s19 =	simm.s32 $_scs_section_size  }
0x9a: {  	s4 =	simm.s32 $_size__tile_overlayer_lowered;
	s5 =	simm.s32 $_tile_overlayer_lowered  }
0x9b: {  	s22 =	simm.s32 $0x1BFF;
	s21 =	sshll.u32 s5, $0x1;
	s2 =	sadd.s32 s19, s18  }
0x9c: {  	s6 =	simm.s32 $0x0;
	s20 =	sshll.u32 s4, $0x1;
	s4 =	sadd.s32 s21, s2  }
0x9d: {  	[timem:s6], [sflag:s22] =	dma.local [hbm:s4], s20  }
0x9e: {  	_ =	swait.ge [sflag:s22], s20  }
0x9f: {  	s3 =	ssub.s32 $0x0, s20;
	[sflag:s22] =	ssyncset.done $0x0  }
0xa0: {  	[sflag:s22] =	ssyncadd.s32 s3;
	_ =	sdelay $0x1  }
0xa1: {  	s23 =	simm.s32 $0x1B8B  }
0xa2: {  	_ =	swait.ge [sflag:s23], $0x1  }
0xa3: {  	[sflag:s23] =	ssyncset.done $0x0  }
0xa4: {  	s25 =	simm.s32 $0x1B8E;
	s24 =	sld [smem:$0x3FFE];
	[sflag:s23] =	ssyncadd.s32 $0xFFFFFFFF  }
0xa5: {  	s26 =	simm.s32 $execute0_lowered;
	[smem:$0x3FD2] =	sst s25  }
0xa6: {  	s4 =	sshll.u32 s26, $0x1;
	_ =	strace $0x80000049;
	[dreg:$0x1] =	wrdreg $0xFFFFFFFF  }
0xa7: {  	s28 =	simm.s32 $_size_execute0_lowered;
	s2 =	sadd.s32 s2, s4;
	[dreg:$0x0] =	wrdreg $0x0  }
0xa8: {  	s4 =	sshll.u32 s28, $0x1;
	[dreg:$0x2] =	wrdreg s2  }
0xa9: {  	[dreg:$0x3] =	wrdreg s4  }
0xaa: {  	[dreg:$0x4] =	wrdreg $0xC0  }
0xab: {  	_ =	task [dreg:s6], $0x5FFFF  }
0xac: {  	[dreg:$0x1] =	wrdreg $0xFFFFFFFF  }
0xad: {  	[dreg:$0x0] =	wrdreg $0x60  }
0xae: {  	[dreg:$0x2] =	wrdreg s24  }
0xaf: {  	[dreg:$0x3] =	wrdreg $0x90000  }
0xb0: {  	[dreg:$0x4] =	wrdreg $0x9  }
0xb1: {  	_ =	task.clear_ibuf [dreg:s6], $0x5FFFF;
	_ =	strace $0x90000049  }
0xb2: {  	s29 =	simm.s32 $0x9;
	_ =	strace $0x8000004B  }
0xb3: {  	_ =	swait.ge [sflag:s29], $0x1  }
0xb4: {  	[sflag:s29] =	ssyncadd.s32 $0xFFFFFFFF  }
0xb5: {  	_ =	strace $0x9000004B  }
0xb6: {  	_ =	sfence  }
0xb7: {  	s30 =	sld [smem:$0x0];
	_ =	sdelay $0x2  }
0xb8: {  	s31 =	sshll.u32 s1, $0xD;
	s1 =	sshrl.u32 s1, $0x2  }
0xb9: {  	s3 =	sand.u32 $0x4000, s31;
	s1 =	sadd.s32 s1, s30  }
0xba: {  	s0 =	sor.u32 s3, s0;
	s1 =	sshll.u32 s1, $0x11  }
0xbb: {  	s0 =	sor.u32 s1, s0  }
0xbc: {  	s0 =	sadd.s32 $0x8F2B, s0  }
0xbd: {  	[sflag:s0] =	ssyncadd.remote.s32 $0x1  }
0xbe: {  	_ =	sfence.sel $0xFFFF  }
0xbf: {  	[dreg:$0x0] =	wrdreg $0xFFFFFFFF;
	(pc) =	sbr.abs _section_cstart, $3  }
0xc0: {  	[dreg:$0x1] =	wrdreg $0xFFFFFFFF  }
0xc1: {  	_ =	task.clear_ibuf [dreg:s6], $0x2FFFF;
	_ =	strace $0x9FFFFFFF  }
0xc2: {  	(tm) =	ssettm $0x7FFFFFFF  }
0xc3: {  	_ =	shalt  }
tec
execute0_lowered:
.L_overlay_start_1:
0x0: {  	(tag) =	ssettag $0x1  }
0x1: {  	s6 =	rddreg [dreg:$0x0]  }
0x2: {  	s1 =	rddreg [dreg:$0x1]  }
0x3: {  	s0 =	rddreg [dreg:$0x2];
	s2 =	simm.s32 $0x0;
	s7 =	srdreg.scid  }
0x4: {  	s3 =	stileid.u32;
	[smem:$0x7FF] =	sst s2;
	s4 =	sadd.s32 $0x8DC00, s6  }
0x5: {  	s10 =	sadd.s32 $0x1CDC00, s6;
	s11 =	sadd.s32 $0x1200, s6;
	s8 =	smul.u32 $0x50000, s3  }
0x6: {  	s5 =	sadd.s32 $0x8B400, s6;
	s7 =	sand.u32 $0x1, s7;
	s9 =	smul.u32 $0x2800, s3  }
0x7: {  	s12 =	sadd.s32 $0x12DC00, s6;
	s16 =	smul.u32 $0x14000, s3;
	s29 =	sshll.u32 s3, $0x6  }
0x8: {  	_ =	strace $0x8000004A;
	s24 =	ssub.s32 $0x2, s7;
	s14 =	smul.u32 $0x50000, s7  }
0x9: {  	s26 =	smul.u32 $0x280000, s7;
	s28 =	sshllo.u32 s7, $0x1;
	s6 =	sor.u32 $0x1C01, s29  }
0xa: {  	s13 =	sshrl.u32 s24, $0x1;
	s8 =	sshrl.u32 s8, $0x2;
	s18 =	smul.u32 $0x28000, s28  }
0xb: {  	s19 =	smul.u32 $0x140000, s28;
	s13 =	ssub.s32 s24, s13;
	s25 =	sadd.s32 s9, s14  }
0xc: {  	s15 =	sadd.s32 s8, s1;
	s14 =	sadd.s32 s16, s26;
	s17 =	sshrl.u32 s25, $0x3  }
0xd: {  	s9 =	sadd.s32 s9, s18;
	s14 =	sshrl.u32 s14, $0x3;
	s16 =	sadd.s32 s16, s19  }
0xe: {  	s13 =	smax.u32 s13, $0x1;
	s18 =	simm.s32 $0x5000;
	s19 =	simm.s32 $0x0  }
0xf: {  	s7 =	sadd.s32 s10, s17;
	s8 =	sadd.s32 s11, s17;
	s30 =	sshrl.u32 s9, $0x3  }
0x10: {  	s9 =	sadd.s32 s12, s14;
	s31 =	sshrl.u32 s16, $0x3;
	s14 =	sshrl.u32 s15, $0x3  }
0x11: {  	s15 =	simm.s32 $0x1;
	s16 =	simm.s32 $0x2800;
	s17 =	simm.s32 $0x80  }
0x12: {  	s10 =	sadd.s32 s10, s30;
	s11 =	sadd.s32 s11, s30;
	s12 =	sadd.s32 s12, s31  }
.LBB2_1:
0x13: {  	[spmem:s14], [sflag:s6] =	dma.local [hbm:s5], $0x2800  }
0x14: {  	_ =	swait.ge [sflag:s15], $0x2800  }
0x15: {  	[sflag:s15] =	ssyncset.done $0x0  }
0x16: {  	[sflag:s15] =	ssyncadd.s32 $0xFFFFD800  }
0x17: {  	[bflag:$0x0] =	sbarrier.arrive $0xFFFF  }
0x18: {  	[tilespmem:s2], [sflag:$0x1] =	stream.linear.gather [hbm4b:s7+s2], $0x2800, $0x38;
	[tilespmem:$0x1D000] =	vst v63  }
0x19: {  	_ =	swait.ge [sflag:s15], $0x2800  }
0x1a: {  	[sflag:s15] =	ssyncset.done $0x0  }
0x1b: {  	[sflag:s15] =	ssyncadd.s32 $0xFFFFD800  }
0x1c: {  	[tilespmem:s16], [sflag:$0x1] =	stream.linear.gather [hbm4b:s8+s2], $0x2800, $0x38;
	[tilespmem:$0x1D000] =	vst v63  }
0x1d: {  	_ =	swait.ge [sflag:s15], $0x2800  }
0x1e: {  	[sflag:s15] =	ssyncset.done $0x0  }
0x1f: {  	s20 =	simm.s32 $0x0;
	[sflag:s15] =	ssyncadd.s32 $0xFFFFD800  }
0x20: {  	[tilespmem:s18], [sflag:$0x1] =	stream.indirect.gather [hbm4b:s4+s17], $0x80, s20, s17, $0xb8;
	[tilespmem:$0x1D000] =	vst v63  }
0x21: {  	_ =	swait.ge [sflag:s15], $0x4000  }
0x22: {  	[sflag:s15] =	ssyncset.done $0x0  }
0x23: {  	s31 =	simm.s32 $0x2800;
	[sflag:s15] =	ssyncadd.s32 $0xFFFFC000  }
0x24: {  	[spmem:s1] =	stream.indirect.scatter.add.f32 [tilespmem:s18], [sflag:$0x1], $0x80, s31, s17, $0xb8;
	[tilespmem:$0x1D000] =	vst v63  }
0x25: {  	_ =	swait.ge [sflag:s15], $0x4000  }
0x26: {  	s21 =	simm.s32 $0x400;
	s20 =	simm.s32 $0x200;
	[sflag:s15] =	ssyncset.done $0x0  }
.LBB2_2:
0x27: {  	s22 =	sshra.s32 s20, $0x2  }
0x28: {  	[sflag:s15] =	ssyncadd.s32 $0xFFFFC000;
	s20 =	smov.u32 s21;
	s23 =	sadd.s32 $0x200, s21  }
0x29: {  	[tilespmem:s18], [sflag:$0x1] =	stream.indirect.gather [hbm4b:s4+s17], $0x80, s22, s17, $0xb8;
	[tilespmem:$0x1D000] =	vst v63  }
0x2a: {  	p0 =	sne.s32 s21, $0x9E00;
	_ =	swait.ge [sflag:s15], $0x4000  }
.Ltmp0:
0x2b: {  	[sflag:s15] =	ssyncset.done $0x0;
	(pc) =	sbr.rel @p0 .LBB2_2-.Ltmp0, $4  }
0x2c: {  	s21 =	sadd.s32 $0x2800, s22;
	[sflag:s15] =	ssyncadd.s32 $0xFFFFC000  }
0x2d: {  	[spmem:s1] =	stream.indirect.scatter.add.f32 [tilespmem:s18], [sflag:$0x1], $0x80, s21, s17, $0xb8;
	[tilespmem:$0x1D000] =	vst v63  }
0x2e: {  	_ =	swait.ge [sflag:s15], $0x4000  }
0x2f: {  	s21 =	smov.u32 s23;
	[sflag:s15] =	ssyncset.done $0x0  }
0x30: {  	s20 =	sshra.s32 s20, $0x2;
	[sflag:s15] =	ssyncadd.s32 $0xFFFFC000  }
0x31: {  	[tilespmem:s18], [sflag:$0x1] =	stream.indirect.gather [hbm4b:s4+s17], $0x80, s20, s17, $0xb8;
	[tilespmem:$0x1D000] =	vst v63  }
0x32: {  	_ =	swait.ge [sflag:s15], $0x4000  }
0x33: {  	[sflag:s15] =	ssyncset.done $0x0  }
0x34: {  	s20 =	sadd.s32 $0x2800, s20;
	[sflag:s15] =	ssyncadd.s32 $0xFFFFC000  }
0x35: {  	[spmem:s1] =	stream.indirect.scatter.add.f32 [tilespmem:s18], [sflag:$0x1], $0x80, s20, s17, $0xb8;
	[tilespmem:$0x1D000] =	vst v63  }
0x36: {  	_ =	swait.ge [sflag:s15], $0x4000  }
0x37: {  	[sflag:s15] =	ssyncset.done $0x0  }
0x38: {  	[sflag:s15] =	ssyncadd.s32 $0xFFFFC000  }
0x39: {  	[bflag:$0x0] =	sbarrier.arrive $0xFFFF  }
0x3a: {  	[hbm:s9], [sflag:s6] =	dma.local [spmem:s14], $0x2800  }
0x3b: {  	_ =	swait.ge [sflag:s15], $0x2800  }
0x3c: {  	[sflag:s15] =	ssyncset.done $0x0  }
0x3d: {  	[sflag:s15] =	ssyncadd.s32 $0xFFFFD800  }
0x3e: {  	[bflag:$0x0] =	sbarrier.arrive $0xFFFF  }
0x3f: {  	[spmem:s14], [sflag:s6] =	dma.local [hbm:s5], $0x2800  }
0x40: {  	_ =	swait.ge [sflag:s15], $0x2800  }
0x41: {  	[sflag:s15] =	ssyncset.done $0x0  }
0x42: {  	[sflag:s15] =	ssyncadd.s32 $0xFFFFD800  }
0x43: {  	s29 =	simm.s32 $0x0;
	[bflag:$0x0] =	sbarrier.arrive $0xFFFF  }
0x44: {  	[tilespmem:s29], [sflag:$0x1] =	stream.linear.gather [hbm4b:s10+s29], $0x2800, $0x38;
	[tilespmem:$0x1D000] =	vst v63  }
0x45: {  	_ =	swait.ge [sflag:s15], $0x2800  }
0x46: {  	[sflag:s15] =	ssyncset.done $0x0  }
0x47: {  	[sflag:s15] =	ssyncadd.s32 $0xFFFFD800  }
0x48: {  	[tilespmem:s16], [sflag:$0x1] =	stream.linear.gather [hbm4b:s11+s29], $0x2800, $0x38;
	[tilespmem:$0x1D000] =	vst v63  }
0x49: {  	_ =	swait.ge [sflag:s15], $0x2800  }
0x4a: {  	[sflag:s15] =	ssyncset.done $0x0  }
0x4b: {  	s30 =	simm.s32 $0x0;
	[sflag:s15] =	ssyncadd.s32 $0xFFFFD800  }
0x4c: {  	[tilespmem:s18], [sflag:$0x1] =	stream.indirect.gather [hbm4b:s4+s17], $0x80, s30, s17, $0xb8;
	[tilespmem:$0x1D000] =	vst v63  }
0x4d: {  	_ =	swait.ge [sflag:s15], $0x4000  }
0x4e: {  	[sflag:s15] =	ssyncset.done $0x0  }
0x4f: {  	s31 =	simm.s32 $0x2800;
	[sflag:s15] =	ssyncadd.s32 $0xFFFFC000  }
0x50: {  	[spmem:s1] =	stream.indirect.scatter.add.f32 [tilespmem:s18], [sflag:$0x1], $0x80, s31, s17, $0xb8;
	[tilespmem:$0x1D000] =	vst v63  }
0x51: {  	_ =	swait.ge [sflag:s15], $0x4000  }
0x52: {  	s21 =	simm.s32 $0x400;
	s20 =	simm.s32 $0x200;
	[sflag:s15] =	ssyncset.done $0x0  }
.LBB2_4:
0x53: {  	s22 =	sshra.s32 s20, $0x2  }
0x54: {  	[sflag:s15] =	ssyncadd.s32 $0xFFFFC000;
	s20 =	smov.u32 s21;
	s23 =	sadd.s32 $0x200, s21  }
0x55: {  	[tilespmem:s18], [sflag:$0x1] =	stream.indirect.gather [hbm4b:s4+s17], $0x80, s22, s17, $0xb8;
	[tilespmem:$0x1D000] =	vst v63  }
0x56: {  	p0 =	sne.s32 s21, $0x9E00;
	_ =	swait.ge [sflag:s15], $0x4000  }
.Ltmp1:
0x57: {  	[sflag:s15] =	ssyncset.done $0x0;
	(pc) =	sbr.rel @p0 .LBB2_4-.Ltmp1, $4  }
0x58: {  	s21 =	sadd.s32 $0x2800, s22;
	[sflag:s15] =	ssyncadd.s32 $0xFFFFC000  }
0x59: {  	[spmem:s1] =	stream.indirect.scatter.add.f32 [tilespmem:s18], [sflag:$0x1], $0x80, s21, s17, $0xb8;
	[tilespmem:$0x1D000] =	vst v63  }
0x5a: {  	_ =	swait.ge [sflag:s15], $0x4000  }
0x5b: {  	s21 =	smov.u32 s23;
	[sflag:s15] =	ssyncset.done $0x0  }
0x5c: {  	s20 =	sshra.s32 s20, $0x2;
	[sflag:s15] =	ssyncadd.s32 $0xFFFFC000  }
0x5d: {  	[tilespmem:s18], [sflag:$0x1] =	stream.indirect.gather [hbm4b:s4+s17], $0x80, s20, s17, $0xb8;
	[tilespmem:$0x1D000] =	vst v63  }
0x5e: {  	_ =	swait.ge [sflag:s15], $0x4000  }
0x5f: {  	[sflag:s15] =	ssyncset.done $0x0  }
0x60: {  	s20 =	sadd.s32 $0x2800, s20;
	[sflag:s15] =	ssyncadd.s32 $0xFFFFC000  }
0x61: {  	[spmem:s1] =	stream.indirect.scatter.add.f32 [tilespmem:s18], [sflag:$0x1], $0x80, s20, s17, $0xb8;
	[tilespmem:$0x1D000] =	vst v63  }
0x62: {  	_ =	swait.ge [sflag:s15], $0x4000  }
0x63: {  	[sflag:s15] =	ssyncset.done $0x0  }
0x64: {  	s19 =	sadd.s32 $0x1, s19;
	[sflag:s15] =	ssyncadd.s32 $0xFFFFC000  }
0x65: {  	p0 =	sne.s32 s19, s13;
	[bflag:$0x0] =	sbarrier.arrive $0xFFFF  }
0x66: {  	[hbm:s12], [sflag:s6] =	dma.local [spmem:s14], $0x2800  }
.Ltmp2:
0x67: {  	_ =	swait.ge [sflag:s15], $0x2800;
	(pc) =	sbr.rel @p0 .LBB2_1-.Ltmp2, $3  }
0x68: {  	[sflag:s15] =	ssyncset.done $0x0  }
0x69: {  	[sflag:s15] =	ssyncadd.s32 $0xFFFFD800  }
0x6a: {  	[bflag:$0x0] =	sbarrier.arrive $0xFFFF;
	_ =	sdelay $0x1  }
0x6b: {  	_ =	sfence.sel $0x180000  }
0x6c: {  	[bflag:$0x0] =	sbarrier.arrive $0xFFFF  }
0x6d: {  	p0 =	sne.s32 s3, $0x0;
	_ =	strace $0x9000004A  }
0x6e: {  	s0 =	sadd.s32 @!p0 $0x100000, s0;
	[bflag:$0x2] =	sbarrier.arrive $0xFFFF  }
0x6f: {  	[sflag:s0] =	ssyncadd.tile.s32 @!p0 $0x1;
	_ =	shalt  }
.Lfunc_end2:
_tile_overlayer_lowered:
.L_overlay_start_2:
0x70: {  	(tag) =	ssettag $0x2  }
0x71: {  	s0 =	rddreg [dreg:$0x0];
	s2 =	stileid.u32  }
0x72: {  	s1 =	rddreg [dreg:$0x1];
	p0 =	sne.s32 s2, $0x0  }
0x73: {  	s3 =	rddreg [dreg:$0x2];
	[bflag:$0x3] =	sbarrier.arrive $0xFFFF;
	s2 =	simm.s32 @!p0 $0x1C01  }
0x74: {  	[timem:s3], [sflag:s2] =	dma.local @!p0 [hbm:s0], s1  }
0x75: {  	s0 =	simm.s32 @!p0 $0x1  }
0x76: {  	_ =	swait.ge @!p0 [sflag:s0], s1  }
0x77: {  	s1 =	ssub.s32 @!p0 $0x0, s1;
	[sflag:s0] =	ssyncset.done @!p0 $0x0  }
0x78: {  	[sflag:s0] =	ssyncadd.s32 @!p0 s1  }
0x79: {  	[bflag:$0x3] =	sbarrier.arrive $0xFFFF  }
0x7a: {  	_ =	shalt  }

// kernel: kernel.7.cloned.1.call-start
scs
__scs_entry_jumppad:
0x0: {  	(pc) =	sbr.rel $0x88, $3  }
0x1: {  	(tag) =	ssettag $0x0;
	lr =	simm.s32 $0x1  }
0x2: {  	[smem:$0x3F98] =	sst lr;
	_ =	strace $0xD0000000  }
0x3: {  	_ = 	snop  }
0x4: {  	_ = 	snop  }
0x5: {  	_ = 	snop  }
0x6: {  	_ = 	snop  }
0x7: {  	_ = 	snop  }
__scs_overlays_trampoline_lowered:
0x8: {  	[smem:$0x3FA7] =	sst s0  }
0x9: {  	[smem:$0x3FA8] =	sst s1  }
0xa: {  	[smem:$0x3FA9] =	sst s2  }
0xb: {  	[smem:$0x3FAA] =	sst s3  }
0xc: {  	[smem:$0x3FAB] =	sst s4  }
0xd: {  	[smem:$0x3FAC] =	sst s5  }
0xe: {  	[smem:$0x3FAD] =	sst s6  }
0xf: {  	[smem:$0x3FAE] =	sst s7  }
0x10: {  	[smem:$0x3FAF] =	sst s8  }
0x11: {  	[smem:$0x3FB0] =	sst s9;
	s0 =	simm.s32 @!p0 $0x0  }
0x12: {  	s1 =	sld [smem:$0x3F96];
	s0 =	simm.s32 @p0 $0x1  }
0x13: {  	[smem:$0x3FB1] =	sst s0;
	s0 =	simm.s32 @!p1 $0x0  }
0x14: {  	s2 =	sld [smem:$0x3F95];
	s0 =	simm.s32 @p1 $0x1  }
0x15: {  	[smem:$0x3FB2] =	sst s0;
	s0 =	simm.s32 @!p2 $0x0  }
0x16: {  	s3 =	sld [smem:$0x3FDB];
	s0 =	simm.s32 @p2 $0x1  }
0x17: {  	s4 =	simm.s32 $0x1BF5;
	[smem:$0x3FB4] =	sst s0  }
0x18: {  	s0 =	sld [smem:$0x3F97];
	_ =	swait.ge [sflag:s4], $0x0  }
0x19: {  	s7 =	sld [smem:$0x3F98]  }
0x1a: {  	s8 =	sadd.s32 $0xFFFFE003, lr  }
0x1b: {  	s9 =	sadd.s32 $0xFFFFFEF7, lr;
	s5 =	simm.s32 $0xFFFFFFFF;
	p2 =	slt.u32 s8, $0xFFFFF086  }
0x1c: {  	p1 =	slt.u32 s9, $0xF7A;
	s5 =	simm.s32 @!p2 $0x0  }
0x1d: {  	s5 =	simm.s32 @p1 $0x1;
	p0 =	seq.s32 s7, s2  }
0x1e: {  	s7 =	smul.u32 @!p0 $0xF7A, s2;
	p2 =	seq.s32 @!p0 s5, $0x0  }
0x1f: {  	s9 =	smul.u32 $0xF7A, s1;
	s8 =	simm.s32 @!p0 $0x1BF5;
	p2 =	por !p2, p0  }
0x20: {  	[sflag:s8] =	ssyncset.s32 @!p0 $0xFFFFF086;
	s6 =	sadd.s32 @!p0 s3, s7;
	s7 =	simm.s32 @!p0 $0x108  }
0x21: {  	s3 =	sadd.s32 s3, s9;
	s6 =	sadd.s32 @!p0 $0x88, s6;
	s7 =	simm.s32 @p2 $0x1082  }
0x22: {  	[simem:s7], [sflag:s8] =	dma.local @!p0 [hbm:s6], $0xF7A  }
0x23: {  	s9 =	sor.u32 $0xD0000000, s2;
	s6 =	simm.s32 $0x108;
	_ =	swait.ge @!p0 [sflag:s8], $0x0  }
0x24: {  	s3 =	sadd.s32 $0x88, s3;
	s6 =	simm.s32 @!p1 $0x1082;
	[sflag:s4] =	ssyncset.s32 $0xFFFFF086  }
0x25: {  	[simem:s6], [sflag:s4] =	dma.local [hbm:s3], $0xF7A  }
0x26: {  	[smem:$0x3F98] =	sst s1;
	(tag) =	ssettag s2;
	_ =	strace s9  }
0x27: {  	s1 =	sld [smem:$0x3FA8]  }
0x28: {  	s2 =	sld [smem:$0x3FA9]  }
0x29: {  	s4 =	sld [smem:$0x3FAB]  }
0x2a: {  	p0 =	seq.s32 s5, $0x0;
	s5 =	sld [smem:$0x3FAC]  }
0x2b: {  	s6 =	sld [smem:$0x3FAD]  }
0x2c: {  	s7 =	sld [smem:$0x3FAE]  }
0x2d: {  	s3 =	simm.s32 $0x108;
	s8 =	sld [smem:$0x3FAF]  }
0x2e: {  	s3 =	simm.s32 @!p0 $0x1082;
	s9 =	sld [smem:$0x3FB0]  }
0x2f: {  	lr =	sadd.s32 s0, s3;
	s0 =	sld [smem:$0x3FA7]  }
0x30: {  	s3 =	sld [smem:$0x3FAA]  }
0x31: {  	[smem:$0x3FB3] =	sst s10  }
0x32: {  	s10 =	sld [smem:$0x3FB1];
	_ =	sdelay $0x3  }
0x33: {  	p0 =	seq.s32 s10, $0x1;
	s10 =	sld [smem:$0x3FB3];
	_ =	sdelay $0x3  }
0x34: {  	[smem:$0x3FB3] =	sst s10  }
0x35: {  	s10 =	sld [smem:$0x3FB2];
	_ =	sdelay $0x3  }
0x36: {  	p1 =	seq.s32 s10, $0x1;
	s10 =	sld [smem:$0x3FB3];
	_ =	sdelay $0x3  }
0x37: {  	[smem:$0x3FB3] =	sst s10  }
0x38: {  	s10 =	sld [smem:$0x3FB4]  }
0x39: {  	_ = 	snop;
	(pc) =	sbr.ind lr, $3  }
0x3a: {  	_ = 	snop  }
0x3b: {  	_ = 	snop  }
0x3c: {  	p2 =	seq.s32 s10, $0x1;
	s10 =	sld [smem:$0x3FB3]  }
0x3d: {  	_ =	shalt  }
0x3e: {  	_ =	shalt  }
0x3f: {  	_ =	shalt  }
0x40: {  	_ =	shalt  }
0x41: {  	_ =	shalt  }
0x42: {  	_ =	shalt  }
0x43: {  	_ =	shalt  }
0x44: {  	_ =	shalt  }
0x45: {  	_ =	shalt  }
0x46: {  	_ =	shalt  }
0x47: {  	_ =	shalt  }
0x48: {  	_ =	shalt  }
0x49: {  	_ =	shalt  }
0x4a: {  	_ =	shalt  }
0x4b: {  	_ =	shalt  }
0x4c: {  	_ =	shalt  }
0x4d: {  	_ =	shalt  }
0x4e: {  	_ =	shalt  }
0x4f: {  	_ =	shalt  }
0x50: {  	_ =	shalt  }
0x51: {  	_ =	shalt  }
0x52: {  	_ =	shalt  }
0x53: {  	_ =	shalt  }
0x54: {  	_ =	shalt  }
0x55: {  	_ =	shalt  }
0x56: {  	_ =	shalt  }
0x57: {  	_ =	shalt  }
0x58: {  	_ =	shalt  }
0x59: {  	_ =	shalt  }
0x5a: {  	_ =	shalt  }
0x5b: {  	_ =	shalt  }
0x5c: {  	_ =	shalt  }
0x5d: {  	_ =	shalt  }
0x5e: {  	_ =	shalt  }
0x5f: {  	_ =	shalt  }
0x60: {  	_ =	shalt  }
0x61: {  	_ =	shalt  }
0x62: {  	_ =	shalt  }
0x63: {  	_ =	shalt  }
0x64: {  	_ =	shalt  }
0x65: {  	_ =	shalt  }
0x66: {  	_ =	shalt  }
0x67: {  	_ =	shalt  }
0x68: {  	_ =	shalt  }
0x69: {  	_ =	shalt  }
0x6a: {  	_ =	shalt  }
0x6b: {  	_ =	shalt  }
0x6c: {  	_ =	shalt  }
0x6d: {  	_ =	shalt  }
0x6e: {  	_ =	shalt  }
0x6f: {  	_ =	shalt  }
0x70: {  	_ =	shalt  }
0x71: {  	_ =	shalt  }
0x72: {  	_ =	shalt  }
0x73: {  	_ =	shalt  }
0x74: {  	_ =	shalt  }
0x75: {  	_ =	shalt  }
0x76: {  	_ =	shalt  }
0x77: {  	_ =	shalt  }
0x78: {  	_ =	shalt  }
0x79: {  	_ =	shalt  }
0x7a: {  	_ =	shalt  }
0x7b: {  	_ =	shalt  }
0x7c: {  	_ =	shalt  }
0x7d: {  	_ =	shalt  }
0x7e: {  	_ =	shalt  }
0x7f: {  	_ =	shalt  }
0x80: {  	_ =	shalt  }
0x81: {  	_ =	shalt  }
0x82: {  	_ =	shalt  }
0x83: {  	_ =	shalt  }
0x84: {  	_ =	shalt  }
0x85: {  	_ =	shalt  }
0x86: {  	_ =	shalt  }
0x87: {  	_ =	shalt  }
.Lfunc_end0:
.L_simem_size_0:
called_computation_lowered:
.L_overlay_start_0:
0x88: {  	s2 =	sld [smem:$0x3FD9]  }
0x89: {  	s3 =	sld [smem:$0x3FFE];
	_ =	sdelay $0x1  }
0x8a: {  	s1 =	srdreg.scid  }
0x8b: {  	s0 =	sand.u32 $0x1, s1  }
0x8c: {  	s16 =	sshll.u32 s0, $0xA;
	s2 =	sadd.s32 s3, s2  }
0x8d: {  	s2 =	sadd.s32 s2, s16  }
0x8e: {  	[smem:$0x3FBF] =	sst s2  }
0x8f: {  	_ = 	snop  }
0x90: {  	(tm) =	ssettm $0x1  }
0x91: {  	s17 =	sld [smem:$0x3FFB];
	_ =	sdelay $0x3  }
0x92: {  	_ =	strace s17  }
0x93: {  	s2 =	sld [smem:$0x3FFC];
	_ =	sdelay $0x3  }
0x94: {  	_ =	strace s2  }
0x95: {  	s2 =	sld [smem:$0x3FFD];
	_ =	sdelay $0x3  }
0x96: {  	_ =	strace s2  }
0x97: {  	_ =	strace $0x8FFFFFFF  }
0x98: {  	s18 =	sld [smem:$0x3FDB];
	_ =	sdelay $0x1  }
0x99: {  	s19 =	simm.s32 $_scs_section_size  }
0x9a: {  	s4 =	simm.s32 $_size__tile_overlayer_lowered;
	s5 =	simm.s32 $_tile_overlayer_lowered  }
0x9b: {  	s22 =	simm.s32 $0x1BFF;
	s21 =	sshll.u32 s5, $0x1;
	s2 =	sadd.s32 s19, s18  }
0x9c: {  	s6 =	simm.s32 $0x0;
	s20 =	sshll.u32 s4, $0x1;
	s4 =	sadd.s32 s21, s2  }
0x9d: {  	[timem:s6], [sflag:s22] =	dma.local [hbm:s4], s20  }
0x9e: {  	_ =	swait.ge [sflag:s22], s20  }
0x9f: {  	s3 =	ssub.s32 $0x0, s20;
	[sflag:s22] =	ssyncset.done $0x0  }
0xa0: {  	[sflag:s22] =	ssyncadd.s32 s3;
	_ =	sdelay $0x1  }
0xa1: {  	s23 =	simm.s32 $0x1B8B  }
0xa2: {  	_ =	swait.ge [sflag:s23], $0x1  }
0xa3: {  	[sflag:s23] =	ssyncset.done $0x0  }
0xa4: {  	s25 =	simm.s32 $0x1B8E;
	s24 =	sld [smem:$0x3FFE];
	[sflag:s23] =	ssyncadd.s32 $0xFFFFFFFF  }
0xa5: {  	s26 =	simm.s32 $execute0_lowered;
	[smem:$0x3FD2] =	sst s25  }
0xa6: {  	s4 =	sshll.u32 s26, $0x1;
	_ =	strace $0x80000046;
	[dreg:$0x1] =	wrdreg $0xFFFFFFFF  }
0xa7: {  	s28 =	simm.s32 $_size_execute0_lowered;
	s2 =	sadd.s32 s2, s4;
	[dreg:$0x0] =	wrdreg $0x0  }
0xa8: {  	s4 =	sshll.u32 s28, $0x1;
	[dreg:$0x2] =	wrdreg s2  }
0xa9: {  	[dreg:$0x3] =	wrdreg s4  }
0xaa: {  	[dreg:$0x4] =	wrdreg $0xC0  }
0xab: {  	_ =	task [dreg:s6], $0x5FFFF  }
0xac: {  	[dreg:$0x1] =	wrdreg $0xFFFFFFFF  }
0xad: {  	[dreg:$0x0] =	wrdreg $0x60  }
0xae: {  	[dreg:$0x2] =	wrdreg s24  }
0xaf: {  	[dreg:$0x3] =	wrdreg $0x90000  }
0xb0: {  	[dreg:$0x4] =	wrdreg $0x9  }
0xb1: {  	_ =	task.clear_ibuf [dreg:s6], $0x5FFFF;
	_ =	strace $0x90000046  }
0xb2: {  	s29 =	simm.s32 $0x9;
	_ =	strace $0x80000048  }
0xb3: {  	_ =	swait.ge [sflag:s29], $0x1  }
0xb4: {  	[sflag:s29] =	ssyncadd.s32 $0xFFFFFFFF  }
0xb5: {  	_ =	strace $0x90000048  }
0xb6: {  	_ =	sfence  }
0xb7: {  	s30 =	sld [smem:$0x0];
	_ =	sdelay $0x2  }
0xb8: {  	s31 =	sshll.u32 s1, $0xD;
	s1 =	sshrl.u32 s1, $0x2  }
0xb9: {  	s3 =	sand.u32 $0x4000, s31;
	s1 =	sadd.s32 s1, s30  }
0xba: {  	s0 =	sor.u32 s3, s0;
	s1 =	sshll.u32 s1, $0x11  }
0xbb: {  	s0 =	sor.u32 s1, s0  }
0xbc: {  	s0 =	sadd.s32 $0x8F2B, s0  }
0xbd: {  	[sflag:s0] =	ssyncadd.remote.s32 $0x1  }
0xbe: {  	_ =	sfence.sel $0xFFFF  }
0xbf: {  	[dreg:$0x0] =	wrdreg $0xFFFFFFFF;
	(pc) =	sbr.abs _section_cstart, $3  }
0xc0: {  	[dreg:$0x1] =	wrdreg $0xFFFFFFFF  }
0xc1: {  	_ =	task.clear_ibuf [dreg:s6], $0x2FFFF;
	_ =	strace $0x9FFFFFFF  }
0xc2: {  	(tm) =	ssettm $0x7FFFFFFF  }
0xc3: {  	_ =	shalt  }
tec
execute0_lowered:
.L_overlay_start_1:
0x0: {  	(tag) =	ssettag $0x1  }
0x1: {  	s6 =	rddreg [dreg:$0x0];
	s0 =	srdreg.scid  }
0x2: {  	s2 =	rddreg [dreg:$0x1];
	s1 =	stileid.u32;
	s3 =	simm.s32 $0x0  }
0x3: {  	s21 =	simm.s32 $0x1;
	s22 =	simm.s32 $0x2800;
	s7 =	smul.u32 $0x2800, s1  }
0x4: {  	s23 =	simm.s32 $0x80;
	s24 =	simm.s32 $0x5000;
	s10 =	smul.u32 $0x14000, s1  }
0x5: {  	s5 =	sand.u32 $0x1, s0;
	s0 =	rddreg [dreg:$0x2];
	s28 =	smul.u32 $0x50000, s1  }
0x6: {  	[smem:$0x7FF] =	sst s3;
	s31 =	sshll.u32 s1, $0x6;
	s4 =	smul.u32 $0xA0000, s5  }
0x7: {  	s8 =	smul.u32 $0x140000, s5;
	_ =	strace $0x80000047;
	s26 =	ssub.s32 $0x2, s5  }
0x8: {  	s5 =	sadd.s32 $0x8B400, s6;
	s29 =	sshrl.u32 s26, $0x1;
	s30 =	sshrl.u32 s28, $0x2  }
0x9: {  	s9 =	sadd.s32 s7, s4;
	s4 =	sadd.s32 $0x15200, s6;
	s7 =	sshrl.u32 s7, $0x3  }
0xa: {  	s25 =	sadd.s32 s10, s8;
	s19 =	ssub.s32 s26, s29;
	s20 =	sadd.s32 s30, s2  }
0xb: {  	s9 =	sshrl.u32 s9, $0x3;
	s17 =	sadd.s32 s7, s6;
	s7 =	sshrl.u32 s25, $0x3  }
0xc: {  	s19 =	smax.u32 s19, $0x1;
	s20 =	sshrl.u32 s20, $0x3;
	s25 =	simm.s32 $0x0  }
0xd: {  	s16 =	sadd.s32 s9, s6;
	s18 =	sadd.s32 s7, s6;
	s6 =	sor.u32 $0x1C01, s31  }
0xe: {  	s8 =	sadd.s32 $0x1200, s17;
	s11 =	sadd.s32 $0x6200, s17;
	s14 =	sadd.s32 $0xB200, s17  }
0xf: {  	s17 =	sadd.s32 $0x10200, s17;
	s7 =	sadd.s32 $0x63400, s16;
	s9 =	sadd.s32 $0x8DC00, s18  }
0x10: {  	s10 =	sadd.s32 $0x68400, s16;
	s12 =	sadd.s32 $0xDDC00, s18;
	s15 =	sadd.s32 $0x12DC00, s18  }
0x11: {  	s13 =	sadd.s32 $0x6D400, s16;
	s16 =	sadd.s32 $0x72400, s16;
	s18 =	sadd.s32 $0x17DC00, s18  }
.LBB2_1:
0x12: {  	[spmem:s20], [sflag:s6] =	dma.local [hbm:s5], $0x2800  }
0x13: {  	_ =	swait.ge [sflag:s21], $0x2800  }
0x14: {  	[sflag:s21] =	ssyncset.done $0x0  }
0x15: {  	[sflag:s21] =	ssyncadd.s32 $0xFFFFD800  }
0x16: {  	[bflag:$0x0] =	sbarrier.arrive $0xFFFF  }
0x17: {  	[tilespmem:s3], [sflag:$0x1] =	stream.linear.gather [hbm4b:s7+s3], $0x2800, $0x38;
	[tilespmem:$0x1D000] =	vst v63  }
0x18: {  	_ =	swait.ge [sflag:s21], $0x2800  }
0x19: {  	[sflag:s21] =	ssyncset.done $0x0  }
0x1a: {  	[sflag:s21] =	ssyncadd.s32 $0xFFFFD800  }
0x1b: {  	[tilespmem:s22], [sflag:$0x1] =	stream.linear.gather [hbm4b:s8+s3], $0x2800, $0x38;
	[tilespmem:$0x1D000] =	vst v63  }
0x1c: {  	_ =	swait.ge [sflag:s21], $0x2800  }
0x1d: {  	[sflag:s21] =	ssyncset.done $0x0  }
0x1e: {  	s26 =	simm.s32 $0x0;
	[sflag:s21] =	ssyncadd.s32 $0xFFFFD800  }
0x1f: {  	[tilespmem:s24], [sflag:$0x1] =	stream.indirect.gather [hbm4b:s4+s23], $0x80, s26, s23, $0xb8;
	[tilespmem:$0x1D000] =	vst v63  }
0x20: {  	_ =	swait.ge [sflag:s21], $0x4000  }
0x21: {  	[sflag:s21] =	ssyncset.done $0x0  }
0x22: {  	s31 =	simm.s32 $0x2800;
	[sflag:s21] =	ssyncadd.s32 $0xFFFFC000  }
0x23: {  	[spmem:s2] =	stream.indirect.scatter.add.f32 [tilespmem:s24], [sflag:$0x1], $0x80, s31, s23, $0xb8;
	[tilespmem:$0x1D000] =	vst v63  }
0x24: {  	_ =	swait.ge [sflag:s21], $0x4000  }
0x25: {  	s28 =	simm.s32 $0x400;
	s26 =	simm.s32 $0x200;
	[sflag:s21] =	ssyncset.done $0x0  }
.LBB2_2:
0x26: {  	s29 =	sshra.s32 s26, $0x2  }
0x27: {  	[sflag:s21] =	ssyncadd.s32 $0xFFFFC000;
	s26 =	smov.u32 s28;
	s30 =	sadd.s32 $0x200, s28  }
0x28: {  	[tilespmem:s24], [sflag:$0x1] =	stream.indirect.gather [hbm4b:s4+s23], $0x80, s29, s23, $0xb8;
	[tilespmem:$0x1D000] =	vst v63  }
0x29: {  	p0 =	sne.s32 s28, $0x9E00;
	_ =	swait.ge [sflag:s21], $0x4000  }
.Ltmp0:
0x2a: {  	[sflag:s21] =	ssyncset.done $0x0;
	(pc) =	sbr.rel @p0 .LBB2_2-.Ltmp0, $4  }
0x2b: {  	s28 =	sadd.s32 $0x2800, s29;
	[sflag:s21] =	ssyncadd.s32 $0xFFFFC000  }
0x2c: {  	[spmem:s2] =	stream.indirect.scatter.add.f32 [tilespmem:s24], [sflag:$0x1], $0x80, s28, s23, $0xb8;
	[tilespmem:$0x1D000] =	vst v63  }
0x2d: {  	_ =	swait.ge [sflag:s21], $0x4000  }
0x2e: {  	s28 =	smov.u32 s30;
	[sflag:s21] =	ssyncset.done $0x0  }
0x2f: {  	s26 =	sshra.s32 s26, $0x2;
	[sflag:s21] =	ssyncadd.s32 $0xFFFFC000  }
0x30: {  	[tilespmem:s24], [sflag:$0x1] =	stream.indirect.gather [hbm4b:s4+s23], $0x80, s26, s23, $0xb8;
	[tilespmem:$0x1D000] =	vst v63  }
0x31: {  	_ =	swait.ge [sflag:s21], $0x4000  }
0x32: {  	[sflag:s21] =	ssyncset.done $0x0  }
0x33: {  	s26 =	sadd.s32 $0x2800, s26;
	[sflag:s21] =	ssyncadd.s32 $0xFFFFC000  }
0x34: {  	[spmem:s2] =	stream.indirect.scatter.add.f32 [tilespmem:s24], [sflag:$0x1], $0x80, s26, s23, $0xb8;
	[tilespmem:$0x1D000] =	vst v63  }
0x35: {  	_ =	swait.ge [sflag:s21], $0x4000  }
0x36: {  	[sflag:s21] =	ssyncset.done $0x0  }
0x37: {  	[sflag:s21] =	ssyncadd.s32 $0xFFFFC000  }
0x38: {  	[bflag:$0x0] =	sbarrier.arrive $0xFFFF  }
0x39: {  	[hbm:s9], [sflag:s6] =	dma.local [spmem:s20], $0x2800  }
0x3a: {  	_ =	swait.ge [sflag:s21], $0x2800  }
0x3b: {  	[sflag:s21] =	ssyncset.done $0x0  }
0x3c: {  	[sflag:s21] =	ssyncadd.s32 $0xFFFFD800  }
0x3d: {  	[bflag:$0x0] =	sbarrier.arrive $0xFFFF  }
0x3e: {  	[spmem:s20], [sflag:s6] =	dma.local [hbm:s5], $0x2800  }
0x3f: {  	_ =	swait.ge [sflag:s21], $0x2800  }
0x40: {  	[sflag:s21] =	ssyncset.done $0x0  }
0x41: {  	[sflag:s21] =	ssyncadd.s32 $0xFFFFD800  }
0x42: {  	s29 =	simm.s32 $0x0;
	[bflag:$0x0] =	sbarrier.arrive $0xFFFF  }
0x43: {  	[tilespmem:s29], [sflag:$0x1] =	stream.linear.gather [hbm4b:s10+s29], $0x2800, $0x38;
	[tilespmem:$0x1D000] =	vst v63  }
0x44: {  	_ =	swait.ge [sflag:s21], $0x2800  }
0x45: {  	[sflag:s21] =	ssyncset.done $0x0  }
0x46: {  	[sflag:s21] =	ssyncadd.s32 $0xFFFFD800  }
0x47: {  	[tilespmem:s22], [sflag:$0x1] =	stream.linear.gather [hbm4b:s11+s29], $0x2800, $0x38;
	[tilespmem:$0x1D000] =	vst v63  }
0x48: {  	_ =	swait.ge [sflag:s21], $0x2800  }
0x49: {  	[sflag:s21] =	ssyncset.done $0x0  }
0x4a: {  	s30 =	simm.s32 $0x0;
	[sflag:s21] =	ssyncadd.s32 $0xFFFFD800  }
0x4b: {  	[tilespmem:s24], [sflag:$0x1] =	stream.indirect.gather [hbm4b:s4+s23], $0x80, s30, s23, $0xb8;
	[tilespmem:$0x1D000] =	vst v63  }
0x4c: {  	_ =	swait.ge [sflag:s21], $0x4000  }
0x4d: {  	[sflag:s21] =	ssyncset.done $0x0  }
0x4e: {  	s31 =	simm.s32 $0x2800;
	[sflag:s21] =	ssyncadd.s32 $0xFFFFC000  }
0x4f: {  	[spmem:s2] =	stream.indirect.scatter.add.f32 [tilespmem:s24], [sflag:$0x1], $0x80, s31, s23, $0xb8;
	[tilespmem:$0x1D000] =	vst v63  }
0x50: {  	_ =	swait.ge [sflag:s21], $0x4000  }
0x51: {  	s28 =	simm.s32 $0x400;
	s26 =	simm.s32 $0x200;
	[sflag:s21] =	ssyncset.done $0x0  }
.LBB2_4:
0x52: {  	s29 =	sshra.s32 s26, $0x2  }
0x53: {  	[sflag:s21] =	ssyncadd.s32 $0xFFFFC000;
	s26 =	smov.u32 s28;
	s30 =	sadd.s32 $0x200, s28  }
0x54: {  	[tilespmem:s24], [sflag:$0x1] =	stream.indirect.gather [hbm4b:s4+s23], $0x80, s29, s23, $0xb8;
	[tilespmem:$0x1D000] =	vst v63  }
0x55: {  	p0 =	sne.s32 s28, $0x9E00;
	_ =	swait.ge [sflag:s21], $0x4000  }
.Ltmp1:
0x56: {  	[sflag:s21] =	ssyncset.done $0x0;
	(pc) =	sbr.rel @p0 .LBB2_4-.Ltmp1, $4  }
0x57: {  	s28 =	sadd.s32 $0x2800, s29;
	[sflag:s21] =	ssyncadd.s32 $0xFFFFC000  }
0x58: {  	[spmem:s2] =	stream.indirect.scatter.add.f32 [tilespmem:s24], [sflag:$0x1], $0x80, s28, s23, $0xb8;
	[tilespmem:$0x1D000] =	vst v63  }
0x59: {  	_ =	swait.ge [sflag:s21], $0x4000  }
0x5a: {  	s28 =	smov.u32 s30;
	[sflag:s21] =	ssyncset.done $0x0  }
0x5b: {  	s26 =	sshra.s32 s26, $0x2;
	[sflag:s21] =	ssyncadd.s32 $0xFFFFC000  }
0x5c: {  	[tilespmem:s24], [sflag:$0x1] =	stream.indirect.gather [hbm4b:s4+s23], $0x80, s26, s23, $0xb8;
	[tilespmem:$0x1D000] =	vst v63  }
0x5d: {  	_ =	swait.ge [sflag:s21], $0x4000  }
0x5e: {  	[sflag:s21] =	ssyncset.done $0x0  }
0x5f: {  	s26 =	sadd.s32 $0x2800, s26;
	[sflag:s21] =	ssyncadd.s32 $0xFFFFC000  }
0x60: {  	[spmem:s2] =	stream.indirect.scatter.add.f32 [tilespmem:s24], [sflag:$0x1], $0x80, s26, s23, $0xb8;
	[tilespmem:$0x1D000] =	vst v63  }
0x61: {  	_ =	swait.ge [sflag:s21], $0x4000  }
0x62: {  	[sflag:s21] =	ssyncset.done $0x0  }
0x63: {  	[sflag:s21] =	ssyncadd.s32 $0xFFFFC000  }
0x64: {  	[bflag:$0x0] =	sbarrier.arrive $0xFFFF  }
0x65: {  	[hbm:s12], [sflag:s6] =	dma.local [spmem:s20], $0x2800  }
0x66: {  	_ =	swait.ge [sflag:s21], $0x2800  }
0x67: {  	[sflag:s21] =	ssyncset.done $0x0  }
0x68: {  	[sflag:s21] =	ssyncadd.s32 $0xFFFFD800  }
0x69: {  	[bflag:$0x0] =	sbarrier.arrive $0xFFFF  }
0x6a: {  	[spmem:s20], [sflag:s6] =	dma.local [hbm:s5], $0x2800  }
0x6b: {  	_ =	swait.ge [sflag:s21], $0x2800  }
0x6c: {  	[sflag:s21] =	ssyncset.done $0x0  }
0x6d: {  	[sflag:s21] =	ssyncadd.s32 $0xFFFFD800  }
0x6e: {  	s29 =	simm.s32 $0x0;
	[bflag:$0x0] =	sbarrier.arrive $0xFFFF  }
0x6f: {  	[tilespmem:s29], [sflag:$0x1] =	stream.linear.gather [hbm4b:s13+s29], $0x2800, $0x38;
	[tilespmem:$0x1D000] =	vst v63  }
0x70: {  	_ =	swait.ge [sflag:s21], $0x2800  }
0x71: {  	[sflag:s21] =	ssyncset.done $0x0  }
0x72: {  	[sflag:s21] =	ssyncadd.s32 $0xFFFFD800  }
0x73: {  	[tilespmem:s22], [sflag:$0x1] =	stream.linear.gather [hbm4b:s14+s29], $0x2800, $0x38;
	[tilespmem:$0x1D000] =	vst v63  }
0x74: {  	_ =	swait.ge [sflag:s21], $0x2800  }
0x75: {  	[sflag:s21] =	ssyncset.done $0x0  }
0x76: {  	s30 =	simm.s32 $0x0;
	[sflag:s21] =	ssyncadd.s32 $0xFFFFD800  }
0x77: {  	[tilespmem:s24], [sflag:$0x1] =	stream.indirect.gather [hbm4b:s4+s23], $0x80, s30, s23, $0xb8;
	[tilespmem:$0x1D000] =	vst v63  }
0x78: {  	_ =	swait.ge [sflag:s21], $0x4000  }
0x79: {  	[sflag:s21] =	ssyncset.done $0x0  }
0x7a: {  	s31 =	simm.s32 $0x2800;
	[sflag:s21] =	ssyncadd.s32 $0xFFFFC000  }
0x7b: {  	[spmem:s2] =	stream.indirect.scatter.add.f32 [tilespmem:s24], [sflag:$0x1], $0x80, s31, s23, $0xb8;
	[tilespmem:$0x1D000] =	vst v63  }
0x7c: {  	_ =	swait.ge [sflag:s21], $0x4000  }
0x7d: {  	s28 =	simm.s32 $0x400;
	s26 =	simm.s32 $0x200;
	[sflag:s21] =	ssyncset.done $0x0  }
.LBB2_6:
0x7e: {  	s29 =	sshra.s32 s26, $0x2  }
0x7f: {  	[sflag:s21] =	ssyncadd.s32 $0xFFFFC000;
	s26 =	smov.u32 s28;
	s30 =	sadd.s32 $0x200, s28  }
0x80: {  	[tilespmem:s24], [sflag:$0x1] =	stream.indirect.gather [hbm4b:s4+s23], $0x80, s29, s23, $0xb8;
	[tilespmem:$0x1D000] =	vst v63  }
0x81: {  	p0 =	sne.s32 s28, $0x9E00;
	_ =	swait.ge [sflag:s21], $0x4000  }
.Ltmp2:
0x82: {  	[sflag:s21] =	ssyncset.done $0x0;
	(pc) =	sbr.rel @p0 .LBB2_6-.Ltmp2, $4  }
0x83: {  	s28 =	sadd.s32 $0x2800, s29;
	[sflag:s21] =	ssyncadd.s32 $0xFFFFC000  }
0x84: {  	[spmem:s2] =	stream.indirect.scatter.add.f32 [tilespmem:s24], [sflag:$0x1], $0x80, s28, s23, $0xb8;
	[tilespmem:$0x1D000] =	vst v63  }
0x85: {  	_ =	swait.ge [sflag:s21], $0x4000  }
0x86: {  	s28 =	smov.u32 s30;
	[sflag:s21] =	ssyncset.done $0x0  }
0x87: {  	s26 =	sshra.s32 s26, $0x2;
	[sflag:s21] =	ssyncadd.s32 $0xFFFFC000  }
0x88: {  	[tilespmem:s24], [sflag:$0x1] =	stream.indirect.gather [hbm4b:s4+s23], $0x80, s26, s23, $0xb8;
	[tilespmem:$0x1D000] =	vst v63  }
0x89: {  	_ =	swait.ge [sflag:s21], $0x4000  }
0x8a: {  	[sflag:s21] =	ssyncset.done $0x0  }
0x8b: {  	s26 =	sadd.s32 $0x2800, s26;
	[sflag:s21] =	ssyncadd.s32 $0xFFFFC000  }
0x8c: {  	[spmem:s2] =	stream.indirect.scatter.add.f32 [tilespmem:s24], [sflag:$0x1], $0x80, s26, s23, $0xb8;
	[tilespmem:$0x1D000] =	vst v63  }
0x8d: {  	_ =	swait.ge [sflag:s21], $0x4000  }
0x8e: {  	[sflag:s21] =	ssyncset.done $0x0  }
0x8f: {  	[sflag:s21] =	ssyncadd.s32 $0xFFFFC000  }
0x90: {  	[bflag:$0x0] =	sbarrier.arrive $0xFFFF  }
0x91: {  	[hbm:s15], [sflag:s6] =	dma.local [spmem:s20], $0x2800  }
0x92: {  	_ =	swait.ge [sflag:s21], $0x2800  }
0x93: {  	[sflag:s21] =	ssyncset.done $0x0  }
0x94: {  	[sflag:s21] =	ssyncadd.s32 $0xFFFFD800  }
0x95: {  	[bflag:$0x0] =	sbarrier.arrive $0xFFFF  }
0x96: {  	[spmem:s20], [sflag:s6] =	dma.local [hbm:s5], $0x2800  }
0x97: {  	_ =	swait.ge [sflag:s21], $0x2800  }
0x98: {  	[sflag:s21] =	ssyncset.done $0x0  }
0x99: {  	[sflag:s21] =	ssyncadd.s32 $0xFFFFD800  }
0x9a: {  	s29 =	simm.s32 $0x0;
	[bflag:$0x0] =	sbarrier.arrive $0xFFFF  }
0x9b: {  	[tilespmem:s29], [sflag:$0x1] =	stream.linear.gather [hbm4b:s16+s29], $0x2800, $0x38;
	[tilespmem:$0x1D000] =	vst v63  }
0x9c: {  	_ =	swait.ge [sflag:s21], $0x2800  }
0x9d: {  	[sflag:s21] =	ssyncset.done $0x0  }
0x9e: {  	[sflag:s21] =	ssyncadd.s32 $0xFFFFD800  }
0x9f: {  	[tilespmem:s22], [sflag:$0x1] =	stream.linear.gather [hbm4b:s17+s29], $0x2800, $0x38;
	[tilespmem:$0x1D000] =	vst v63  }
0xa0: {  	_ =	swait.ge [sflag:s21], $0x2800  }
0xa1: {  	[sflag:s21] =	ssyncset.done $0x0  }
0xa2: {  	s30 =	simm.s32 $0x0;
	[sflag:s21] =	ssyncadd.s32 $0xFFFFD800  }
0xa3: {  	[tilespmem:s24], [sflag:$0x1] =	stream.indirect.gather [hbm4b:s4+s23], $0x80, s30, s23, $0xb8;
	[tilespmem:$0x1D000] =	vst v63  }
0xa4: {  	_ =	swait.ge [sflag:s21], $0x4000  }
0xa5: {  	[sflag:s21] =	ssyncset.done $0x0  }
0xa6: {  	s31 =	simm.s32 $0x2800;
	[sflag:s21] =	ssyncadd.s32 $0xFFFFC000  }
0xa7: {  	[spmem:s2] =	stream.indirect.scatter.add.f32 [tilespmem:s24], [sflag:$0x1], $0x80, s31, s23, $0xb8;
	[tilespmem:$0x1D000] =	vst v63  }
0xa8: {  	_ =	swait.ge [sflag:s21], $0x4000  }
0xa9: {  	s28 =	simm.s32 $0x400;
	s26 =	simm.s32 $0x200;
	[sflag:s21] =	ssyncset.done $0x0  }
.LBB2_8:
0xaa: {  	s29 =	sshra.s32 s26, $0x2  }
0xab: {  	[sflag:s21] =	ssyncadd.s32 $0xFFFFC000;
	s26 =	smov.u32 s28;
	s30 =	sadd.s32 $0x200, s28  }
0xac: {  	[tilespmem:s24], [sflag:$0x1] =	stream.indirect.gather [hbm4b:s4+s23], $0x80, s29, s23, $0xb8;
	[tilespmem:$0x1D000] =	vst v63  }
0xad: {  	p0 =	sne.s32 s28, $0x9E00;
	_ =	swait.ge [sflag:s21], $0x4000  }
.Ltmp3:
0xae: {  	[sflag:s21] =	ssyncset.done $0x0;
	(pc) =	sbr.rel @p0 .LBB2_8-.Ltmp3, $4  }
0xaf: {  	s28 =	sadd.s32 $0x2800, s29;
	[sflag:s21] =	ssyncadd.s32 $0xFFFFC000  }
0xb0: {  	[spmem:s2] =	stream.indirect.scatter.add.f32 [tilespmem:s24], [sflag:$0x1], $0x80, s28, s23, $0xb8;
	[tilespmem:$0x1D000] =	vst v63  }
0xb1: {  	_ =	swait.ge [sflag:s21], $0x4000  }
0xb2: {  	s28 =	smov.u32 s30;
	[sflag:s21] =	ssyncset.done $0x0  }
0xb3: {  	s26 =	sshra.s32 s26, $0x2;
	[sflag:s21] =	ssyncadd.s32 $0xFFFFC000  }
0xb4: {  	[tilespmem:s24], [sflag:$0x1] =	stream.indirect.gather [hbm4b:s4+s23], $0x80, s26, s23, $0xb8;
	[tilespmem:$0x1D000] =	vst v63  }
0xb5: {  	_ =	swait.ge [sflag:s21], $0x4000  }
0xb6: {  	[sflag:s21] =	ssyncset.done $0x0  }
0xb7: {  	s26 =	sadd.s32 $0x2800, s26;
	[sflag:s21] =	ssyncadd.s32 $0xFFFFC000  }
0xb8: {  	[spmem:s2] =	stream.indirect.scatter.add.f32 [tilespmem:s24], [sflag:$0x1], $0x80, s26, s23, $0xb8;
	[tilespmem:$0x1D000] =	vst v63  }
0xb9: {  	_ =	swait.ge [sflag:s21], $0x4000  }
0xba: {  	[sflag:s21] =	ssyncset.done $0x0  }
0xbb: {  	s25 =	sadd.s32 $0x1, s25;
	[sflag:s21] =	ssyncadd.s32 $0xFFFFC000  }
0xbc: {  	p0 =	sne.s32 s25, s19;
	[bflag:$0x0] =	sbarrier.arrive $0xFFFF  }
0xbd: {  	[hbm:s18], [sflag:s6] =	dma.local [spmem:s20], $0x2800  }
.Ltmp4:
0xbe: {  	_ =	swait.ge [sflag:s21], $0x2800;
	(pc) =	sbr.rel @p0 .LBB2_1-.Ltmp4, $3  }
0xbf: {  	[sflag:s21] =	ssyncset.done $0x0  }
0xc0: {  	[sflag:s21] =	ssyncadd.s32 $0xFFFFD800  }
0xc1: {  	[bflag:$0x0] =	sbarrier.arrive $0xFFFF;
	_ =	sdelay $0x1  }
0xc2: {  	_ =	sfence.sel $0x180000  }
0xc3: {  	[bflag:$0x0] =	sbarrier.arrive $0xFFFF  }
0xc4: {  	p0 =	sne.s32 s1, $0x0;
	_ =	strace $0x90000047  }
0xc5: {  	s0 =	sadd.s32 @!p0 $0x100000, s0;
	[bflag:$0x2] =	sbarrier.arrive $0xFFFF  }
0xc6: {  	[sflag:s0] =	ssyncadd.tile.s32 @!p0 $0x1;
	_ =	shalt  }
.Lfunc_end2:
_tile_overlayer_lowered:
.L_overlay_start_2:
0xc7: {  	(tag) =	ssettag $0x2  }
0xc8: {  	s0 =	rddreg [dreg:$0x0];
	s2 =	stileid.u32  }
0xc9: {  	s1 =	rddreg [dreg:$0x1];
	p0 =	sne.s32 s2, $0x0  }
0xca: {  	s3 =	rddreg [dreg:$0x2];
	[bflag:$0x3] =	sbarrier.arrive $0xFFFF;
	s2 =	simm.s32 @!p0 $0x1C01  }
0xcb: {  	[timem:s3], [sflag:s2] =	dma.local @!p0 [hbm:s0], s1  }
0xcc: {  	s0 =	simm.s32 @!p0 $0x1  }
0xcd: {  	_ =	swait.ge @!p0 [sflag:s0], s1  }
0xce: {  	s1 =	ssub.s32 @!p0 $0x0, s1;
	[sflag:s0] =	ssyncset.done @!p0 $0x0  }
0xcf: {  	[sflag:s0] =	ssyncadd.s32 @!p0 s1  }
0xd0: {  	[bflag:$0x3] =	sbarrier.arrive $0xFFFF  }
0xd1: {  	_ =	shalt  }

</sc_bundles>
